<compile_context>
chip_gen: v7x
topology: tpu7x:2x2x1
jax: 0.10.2.dev20260603
libtpu: 0.0.44.dev20260713+nightly
codegen_flags: <defaults>
</compile_context>

<pallas_src>
import functools

import jax
import jax.numpy as jnp
from jax import lax
from jax.experimental import pallas as pl
from jax.experimental.pallas import tpu as pltpu
from jax.experimental.pallas import tpu_sc as plsc

_MAGIC = 12582912.0


def _rne(v):
    return (v + _MAGIC) - _MAGIC


def _sc_body(x_hbm, o_hbm, buf):
    info = plsc.get_sparse_core_info()
    nc = info.num_cores
    wid = lax.axis_index("s") * nc + lax.axis_index("c")
    b = wid // 16
    t_base = (wid % 16) * 128

    pltpu.sync_copy(x_hbm.at[b, :, :, pl.ds(t_base, 128)], buf)

    def group_body(g, _):
        t0 = g * 16

        def red_body(k, carry):
            lo, hi = carry
            h, c = k // 64, k % 64
            v = buf[h, c, pl.ds(t0, 16)]
            return jnp.minimum(lo, v), jnp.maximum(hi, v)

        lo, hi = lax.fori_loop(
            0, 768, red_body,
            (jnp.full((16,), 3.0e38, jnp.float32),
             jnp.full((16,), -3.0e38, jnp.float32)),
            unroll=8,
        )
        delta = (hi - lo) / 255.0
        rinv = 1.0 / delta
        zp = _rne(-lo * rinv)

        def q_body(k, _):
            h, c = k // 64, k % 64
            v = buf[h, c, pl.ds(t0, 16)]
            xi = _rne(v * rinv) + zp
            q = jnp.clip(xi, 0.0, 255.0)
            buf[h, c, pl.ds(t0, 16)] = (q - zp) * delta
            return 0

        lax.fori_loop(0, 768, q_body, 0, unroll=8)
        return 0

    lax.fori_loop(0, 8, group_body, 0)
    pltpu.sync_copy(buf, o_hbm.at[b, :, :, pl.ds(t_base, 128)])


def _sc_call(xt):
    mesh = plsc.VectorSubcoreMesh(core_axis_name="c", subcore_axis_name="s")
    kfn = functools.partial(
        pl.kernel,
        mesh=mesh,
        out_type=jax.ShapeDtypeStruct(xt.shape, xt.dtype),
        scratch_types=[pltpu.VMEM((12, 64, 128), jnp.float32)],
        compiler_params=pltpu.CompilerParams(
            needs_layout_passes=False, use_tc_tiling_on_sc=True
        ),
    )(_sc_body)
    return kfn(xt)


def kernel(x):
    xt = jnp.transpose(x, (0, 1, 3, 2))
    return jnp.transpose(_sc_call(xt), (0, 1, 3, 2))

# --- scband reference (transcript-rebuilt; emitter-appended) ---
"""Pipeline reference for scband-upper-bit-bound-quantizer-attn-61718680043577 (READ-ONLY COPY).

The authoritative reference and input builder live on the scoring server;
editing this copy changes nothing except your own understanding.
"""

import jax, jax.numpy as jnp
import numpy as np

N_BITS = 8
COCO = 0.1
ON = True

def round_ste(x):
    return x + jax.lax.stop_gradient(jnp.round(x) - x)

def _quant_pass(x4, mean, coeff, std, constraint, threshold):
    b, h, t, c = x4.shape
    ch = h * c
    x = jnp.transpose(x4, (0, 2, 1, 3)).reshape(b, t, ch)
    error_ulg = x.max(axis=2) - x.min(axis=2)
    attn_sum = 1.0 / error_ulg
    attn_sum_ = error_ulg
    upper = mean + error_ulg[:, :, None] * coeff * constraint
    lower = mean - error_ulg[:, :, None] * coeff * constraint
    attn_std = jnp.sum(x < upper, axis=2).astype(jnp.float32) - jnp.sum(x < lower, axis=2).astype(jnp.float32)
    cmin = jnp.where(constraint == 0, 1e-6, COCO * ch)
    attn_std = jnp.maximum(attn_std, cmin)
    attn_std = 1.0 / attn_std
    attn_std = jnp.where(attn_std > 1, 0.0, attn_std)
    dec_idx = jnp.argsort(-attn_sum_, axis=1)
    inc_idx = jnp.argsort(attn_sum_, axis=1)
    sdec = jnp.take_along_axis(attn_sum_, dec_idx, axis=1)
    sinc = jnp.take_along_axis(attn_sum_, inc_idx, axis=1)
    score = (sdec * jnp.take_along_axis(attn_std, dec_idx, axis=1) - sinc * jnp.take_along_axis(attn_std, inc_idx, axis=1) * threshold) / std
    pos = score > 0
    mask = jnp.logical_not(pos)
    min_idx = jnp.where(mask.any(axis=1), jnp.argmax(mask, axis=1), -1)
    diff = min_idx[:, None]
    rank = jnp.argsort(jnp.argsort(attn_sum, axis=1), axis=1)
    bit_token = jnp.full(rank.shape, N_BITS, dtype=jnp.int32)
    if ON:
        bit_token = jnp.where(rank < diff, N_BITS + 1, bit_token)
        bit_token = jnp.where(rank > t - 1 - diff, N_BITS - 1, bit_token)
    n_levels = (2 ** bit_token).astype(jnp.float32)[:, None, :, None]
    xv = x.reshape(b, 1, t, ch)
    x_min = xv.min(axis=-1, keepdims=True)
    x_max = xv.max(axis=-1, keepdims=True)
    delta = (x_max - x_min) / (2 ** N_BITS - 1)
    zero_point = jnp.round(-x_min / delta)
    x_int = round_ste(xv / delta) + zero_point
    x_int = x_int / (n_levels - 1)
    x_quant = jnp.clip(x_int, 0.0, 1.0) * (n_levels - 1)
    x_dq = (x_quant - zero_point) * delta
    return jnp.transpose(x_dq.reshape(b, t, h, c), (0, 2, 1, 3))

_grid_err = jax.jit(lambda x4, mean, coeff, std, con, thr: jnp.mean(jnp.abs(x4 - _quant_pass(x4, mean, coeff, std, con, thr))))

def setup_inputs(seed: int = 0):
    key = jax.random.key(seed)
    x = jax.random.normal(key, (2, 12, 2048, 64), dtype=jnp.float32)
    return {"x": x}

def reference(x):
    std = jnp.std(x, ddof=1)
    coeff = std / (x.max() - x.min())
    mean = jnp.median(x)
    base = (2 ** (N_BITS + 1) - 1) / (2 ** N_BITS - 2)
    cons = jnp.asarray([num / 5.0 for num in range(21) for num_ in range(21)], dtype=jnp.float32)
    thrs = jnp.asarray([num_ / 5.0 + base for num in range(21) for num_ in range(21)], dtype=jnp.float32)

    def step(carry, ct):
        best_err, best_c, best_t = carry
        con, thr = ct
        err = _grid_err(x, mean, coeff, std, con, thr)
        take = best_err >= err
        new_carry = (
            jnp.where(take, err, best_err),
            jnp.where(take, con, best_c),
            jnp.where(take, thr, best_t),
        )
        return new_carry, None

    init = (jnp.float32(jnp.inf), jnp.float32(0.0), jnp.float32(base))
    (best_err, best_c, best_t), _ = jax.lax.scan(step, init, (cons, thrs))
    return _quant_pass(x, mean, coeff, std, best_c, best_t)

if __name__ == "__main__":
    import jax
    _d = setup_inputs()
    print(jax.jit(kernel)(*tuple(_d.values())))

</pallas_src>

<mosaic_0001>
#map = affine_map<(d0, d1) -> (0, 0, 0, 0)>
module attributes {stable_mosaic.version = 14 : i64} {
  func.func @_sc_body(%arg0: i32, %arg1: i32, %arg2: memref<2x12x64x2048xf32, #tpu.memory_space<hbm>>, %arg3: memref<2x12x64x2048xf32, #tpu.memory_space<hbm>>, %arg4: memref<12x64x128xf32, #tpu.memory_space<vmem>>) attributes {dimension_semantics = [#tpu.dimension_semantics<core_parallel>, #tpu.dimension_semantics<subcore_parallel>], iteration_bounds = array<i64: 2, 16>, scalar_prefetch = 0 : i64, scratch_operands = 1 : i64, tpu.core_type = #tpu.core_type<sc_vector_subcore>, window_params = [{transform_indices = #map}, {transform_indices = #map}]} {
    %mul3A = arith.constant 2 : i32
    %mul3A_0 = arith.muli %arg1, %mul3A : i32
    %add3A = arith.addi %mul3A_0, %arg0 : i32
    %jit3A = arith.constant 16 : i32
    %div3A = arith.divsi %add3A, %jit3A : i32
    %sign3A = arith.constant 0 : i32
    %sign3A_1 = arith.cmpi sgt, %add3A, %sign3A : i32
    %sign3A_2 = arith.extui %sign3A_1 : i1 to i32
    %sign3A_3 = arith.constant 0 : i32
    %sign3A_4 = arith.cmpi slt, %add3A, %sign3A_3 : i32
    %sign3A_5 = arith.extui %sign3A_4 : i1 to i32
    %sign3A_6 = arith.subi %sign3A_2, %sign3A_5 : i32
    %sign3A_7 = arith.constant 0 : i32
    %sign3A_8 = arith.cmpi sgt, %jit3A, %sign3A_7 : i32
    %sign3A_9 = arith.extui %sign3A_8 : i1 to i32
    %sign3A_10 = arith.constant 0 : i32
    %sign3A_11 = arith.cmpi slt, %jit3A, %sign3A_10 : i32
    %sign3A_12 = arith.extui %sign3A_11 : i1 to i32
    %sign3A_13 = arith.subi %sign3A_9, %sign3A_12 : i32
    %ne3A = arith.cmpi ne, %sign3A_6, %sign3A_13 : i32
    %rem3A = arith.remsi %add3A, %jit3A : i32
    %ne3A_14 = arith.constant 0 : i32
    %ne3A_15 = arith.cmpi ne, %rem3A, %ne3A_14 : i32
    %and3A = arith.andi %ne3A, %ne3A_15 : i1
    %sub3A = arith.constant 1 : i32
    %sub3A_16 = arith.subi %div3A, %sub3A : i32
    %select_n3A = arith.select %and3A, %sub3A_16, %div3A : i32
    %jit3A_17 = arith.constant 16 : i32
    %eq3A = arith.constant 0 : i32
    %eq3A_18 = arith.cmpi eq, %jit3A_17, %eq3A : i32
    %jit3A_19 = arith.constant 1 : i32
    %select_n3A_20 = arith.select %eq3A_18, %jit3A_19, %jit3A_17 : i32
    %rem3A_21 = arith.remsi %add3A, %select_n3A_20 : i32
    %ne3A_22 = arith.constant 0 : i32
    %ne3A_23 = arith.cmpi ne, %rem3A_21, %ne3A_22 : i32
    %lt3A = arith.constant 0 : i32
    %lt3A_24 = arith.cmpi slt, %rem3A_21, %lt3A : i32
    %lt3A_25 = arith.constant 0 : i32
    %lt3A_26 = arith.cmpi slt, %select_n3A_20, %lt3A_25 : i32
    %ne3A_27 = arith.xori %lt3A_24, %lt3A_26 : i1
    %and3A_28 = arith.andi %ne3A_27, %ne3A_23 : i1
    %add3A_29 = arith.addi %rem3A_21, %select_n3A_20 : i32
    %select_n3A_30 = arith.select %and3A_28, %add3A_29, %rem3A_21 : i32
    %mul3A_31 = arith.constant 128 : i32
    %mul3A_32 = arith.muli %select_n3A_30, %mul3A_31 : i32
    "tpu.region"() ({
      %run_scoped3A = tpu.sem_alloc : memref<!tpu.dma_semaphore, #tpu.memory_space<semaphore_mem>>
      %dma_start3A = arith.constant 0 : i32
      %dma_start3A_39 = arith.constant 0 : i32
      %dma_start3A_40 = tpu.memref_slice %arg2[%select_n3A, %dma_start3A, %dma_start3A_39, %mul3A_32] : memref<2x12x64x2048xf32, #tpu.memory_space<hbm>> -> memref<1x12x64x128xf32, #tpu.memory_space<hbm>>
      %dma_start3A_41 = tpu.memref_squeeze %dma_start3A_40 : memref<1x12x64x128xf32, #tpu.memory_space<hbm>> -> memref<12x64x128xf32, #tpu.memory_space<hbm>>
      %dma_start3A_42 = arith.constant 0 : i32
      %dma_start3A_43 = arith.constant 0 : i32
      %dma_start3A_44 = tpu.memref_slice %arg2[%select_n3A, %dma_start3A_42, %dma_start3A_43, %mul3A_32] : memref<2x12x64x2048xf32, #tpu.memory_space<hbm>> -> memref<1x12x64x128xf32, #tpu.memory_space<hbm>>
      %dma_start3A_45 = tpu.memref_squeeze %dma_start3A_44 : memref<1x12x64x128xf32, #tpu.memory_space<hbm>> -> memref<12x64x128xf32, #tpu.memory_space<hbm>>
      tpu.enqueue_dma source(%dma_start3A_45 : memref<12x64x128xf32, #tpu.memory_space<hbm>>) target(%arg4 : memref<12x64x128xf32, #tpu.memory_space<vmem>>) target_semaphore(%run_scoped3A : memref<!tpu.dma_semaphore, #tpu.memory_space<semaphore_mem>>)
      %dma_wait3A = arith.constant 0 : i32
      %dma_wait3A_46 = arith.constant 0 : i32
      %dma_wait3A_47 = tpu.memref_slice %arg2[%select_n3A, %dma_wait3A, %dma_wait3A_46, %mul3A_32] : memref<2x12x64x2048xf32, #tpu.memory_space<hbm>> -> memref<1x12x64x128xf32, #tpu.memory_space<hbm>>
      %dma_wait3A_48 = tpu.memref_squeeze %dma_wait3A_47 : memref<1x12x64x128xf32, #tpu.memory_space<hbm>> -> memref<12x64x128xf32, #tpu.memory_space<hbm>>
      %dma_wait3A_49 = arith.constant 0 : i32
      %dma_wait3A_50 = arith.constant 0 : i32
      %dma_wait3A_51 = tpu.memref_slice %arg2[%select_n3A, %dma_wait3A_49, %dma_wait3A_50, %mul3A_32] : memref<2x12x64x2048xf32, #tpu.memory_space<hbm>> -> memref<1x12x64x128xf32, #tpu.memory_space<hbm>>
      %dma_wait3A_52 = tpu.memref_squeeze %dma_wait3A_51 : memref<1x12x64x128xf32, #tpu.memory_space<hbm>> -> memref<12x64x128xf32, #tpu.memory_space<hbm>>
      tpu.wait_dma2 semaphore(%run_scoped3A : memref<!tpu.dma_semaphore, #tpu.memory_space<semaphore_mem>>) src(%dma_wait3A_52 : memref<12x64x128xf32, #tpu.memory_space<hbm>>) dst(%arg4 : memref<12x64x128xf32, #tpu.memory_space<vmem>>)
      tpu.yield
    }) : () -> ()
    %scan3A = arith.constant 0 : i32
    %scan3A_33 = arith.constant 0 : i32
    %scan3A_34 = arith.constant 8 : i32
    %scan3A_35 = arith.addi %scan3A_33, %scan3A_34 : i32
    %scan3A_36 = arith.constant 1 : i32
    %scan3A_37 = scf.for %scan3A_39 = %scan3A_33 to %scan3A_35 step %scan3A_36 iter_args(%scan3A_40 = %scan3A) -> (i32)  : i32 {
      %mul3A_41 = arith.constant 16 : i32
      %mul3A_42 = arith.muli %scan3A_39, %mul3A_41 : i32
      %broadcast_in_dim3A = arith.constant 3.000000e+38 : f32
      %broadcast_in_dim3A_43 = vector.broadcast %broadcast_in_dim3A : f32 to vector<16xf32>
      %broadcast_in_dim3A_44 = arith.constant -3.000000e+38 : f32
      %broadcast_in_dim3A_45 = vector.broadcast %broadcast_in_dim3A_44 : f32 to vector<16xf32>
      %scan3A_46 = arith.constant 0 : i32
      %scan3A_47 = arith.constant 768 : i32
      %scan3A_48 = arith.addi %scan3A_46, %scan3A_47 : i32
      %scan3A_49 = arith.constant 8 : i32
      %scan3A_50:2 = scf.for %scan3A_76 = %scan3A_46 to %scan3A_48 step %scan3A_49 iter_args(%scan3A_77 = %broadcast_in_dim3A_43, %scan3A_78 = %broadcast_in_dim3A_45) -> (vector<16xf32>, vector<16xf32>)  : i32 {
        %jit3A_79 = arith.constant 64 : i32
        %div3A_80 = arith.divsi %scan3A_76, %jit3A_79 : i32
        %sign3A_81 = arith.constant 0 : i32
        %sign3A_82 = arith.cmpi sgt, %scan3A_76, %sign3A_81 : i32
        %sign3A_83 = arith.extui %sign3A_82 : i1 to i32
        %sign3A_84 = arith.constant 0 : i32
        %sign3A_85 = arith.cmpi slt, %scan3A_76, %sign3A_84 : i32
        %sign3A_86 = arith.extui %sign3A_85 : i1 to i32
        %sign3A_87 = arith.subi %sign3A_83, %sign3A_86 : i32
        %sign3A_88 = arith.constant 0 : i32
        %sign3A_89 = arith.cmpi sgt, %jit3A_79, %sign3A_88 : i32
        %sign3A_90 = arith.extui %sign3A_89 : i1 to i32
        %sign3A_91 = arith.constant 0 : i32
        %sign3A_92 = arith.cmpi slt, %jit3A_79, %sign3A_91 : i32
        %sign3A_93 = arith.extui %sign3A_92 : i1 to i32
        %sign3A_94 = arith.subi %sign3A_90, %sign3A_93 : i32
        %ne3A_95 = arith.cmpi ne, %sign3A_87, %sign3A_94 : i32
        %rem3A_96 = arith.remsi %scan3A_76, %jit3A_79 : i32
        %ne3A_97 = arith.constant 0 : i32
        %ne3A_98 = arith.cmpi ne, %rem3A_96, %ne3A_97 : i32
        %and3A_99 = arith.andi %ne3A_95, %ne3A_98 : i1
        %sub3A_100 = arith.constant 1 : i32
        %sub3A_101 = arith.subi %div3A_80, %sub3A_100 : i32
        %select_n3A_102 = arith.select %and3A_99, %sub3A_101, %div3A_80 : i32
        %jit3A_103 = arith.constant 64 : i32
        %eq3A_104 = arith.constant 0 : i32
        %eq3A_105 = arith.cmpi eq, %jit3A_103, %eq3A_104 : i32
        %jit3A_106 = arith.constant 1 : i32
        %select_n3A_107 = arith.select %eq3A_105, %jit3A_106, %jit3A_103 : i32
        %rem3A_108 = arith.remsi %scan3A_76, %select_n3A_107 : i32
        %ne3A_109 = arith.constant 0 : i32
        %ne3A_110 = arith.cmpi ne, %rem3A_108, %ne3A_109 : i32
        %lt3A_111 = arith.constant 0 : i32
        %lt3A_112 = arith.cmpi slt, %rem3A_108, %lt3A_111 : i32
        %lt3A_113 = arith.constant 0 : i32
        %lt3A_114 = arith.cmpi slt, %select_n3A_107, %lt3A_113 : i32
        %ne3A_115 = arith.xori %lt3A_112, %lt3A_114 : i1
        %and3A_116 = arith.andi %ne3A_115, %ne3A_110 : i1
        %add3A_117 = arith.addi %rem3A_108, %select_n3A_107 : i32
        %select_n3A_118 = arith.select %and3A_116, %add3A_117, %rem3A_108 : i32
        %get3A = arith.index_cast %select_n3A_102 : i32 to index
        %get3A_119 = arith.index_cast %select_n3A_118 : i32 to index
        %get3A_120 = arith.index_cast %mul3A_42 : i32 to index
        %get3A_121 = tpu.vector_load %arg4[%get3A, %get3A_119, %get3A_120] {strides = array<i32>} : memref<12x64x128xf32, #tpu.memory_space<vmem>>, vector<16xf32>,
        %min3A = arith.minimumf %scan3A_77, %get3A_121 : vector<16xf32>
        %max3A = arith.maximumf %scan3A_78, %get3A_121 : vector<16xf32>
        %scan3A_122 = arith.constant 1 : i32
        %scan3A_123 = arith.addi %scan3A_76, %scan3A_122 : i32
        %jit3A_124 = arith.constant 64 : i32
        %div3A_125 = arith.divsi %scan3A_123, %jit3A_124 : i32
        %sign3A_126 = arith.constant 0 : i32
        %sign3A_127 = arith.cmpi sgt, %scan3A_123, %sign3A_126 : i32
        %sign3A_128 = arith.extui %sign3A_127 : i1 to i32
        %sign3A_129 = arith.constant 0 : i32
        %sign3A_130 = arith.cmpi slt, %scan3A_123, %sign3A_129 : i32
        %sign3A_131 = arith.extui %sign3A_130 : i1 to i32
        %sign3A_132 = arith.subi %sign3A_128, %sign3A_131 : i32
        %sign3A_133 = arith.constant 0 : i32
        %sign3A_134 = arith.cmpi sgt, %jit3A_124, %sign3A_133 : i32
        %sign3A_135 = arith.extui %sign3A_134 : i1 to i32
        %sign3A_136 = arith.constant 0 : i32
        %sign3A_137 = arith.cmpi slt, %jit3A_124, %sign3A_136 : i32
        %sign3A_138 = arith.extui %sign3A_137 : i1 to i32
        %sign3A_139 = arith.subi %sign3A_135, %sign3A_138 : i32
        %ne3A_140 = arith.cmpi ne, %sign3A_132, %sign3A_139 : i32
        %rem3A_141 = arith.remsi %scan3A_123, %jit3A_124 : i32
        %ne3A_142 = arith.constant 0 : i32
        %ne3A_143 = arith.cmpi ne, %rem3A_141, %ne3A_142 : i32
        %and3A_144 = arith.andi %ne3A_140, %ne3A_143 : i1
        %sub3A_145 = arith.constant 1 : i32
        %sub3A_146 = arith.subi %div3A_125, %sub3A_145 : i32
        %select_n3A_147 = arith.select %and3A_144, %sub3A_146, %div3A_125 : i32
        %jit3A_148 = arith.constant 64 : i32
        %eq3A_149 = arith.constant 0 : i32
        %eq3A_150 = arith.cmpi eq, %jit3A_148, %eq3A_149 : i32
        %jit3A_151 = arith.constant 1 : i32
        %select_n3A_152 = arith.select %eq3A_150, %jit3A_151, %jit3A_148 : i32
        %rem3A_153 = arith.remsi %scan3A_123, %select_n3A_152 : i32
        %ne3A_154 = arith.constant 0 : i32
        %ne3A_155 = arith.cmpi ne, %rem3A_153, %ne3A_154 : i32
        %lt3A_156 = arith.constant 0 : i32
        %lt3A_157 = arith.cmpi slt, %rem3A_153, %lt3A_156 : i32
        %lt3A_158 = arith.constant 0 : i32
        %lt3A_159 = arith.cmpi slt, %select_n3A_152, %lt3A_158 : i32
        %ne3A_160 = arith.xori %lt3A_157, %lt3A_159 : i1
        %and3A_161 = arith.andi %ne3A_160, %ne3A_155 : i1
        %add3A_162 = arith.addi %rem3A_153, %select_n3A_152 : i32
        %select_n3A_163 = arith.select %and3A_161, %add3A_162, %rem3A_153 : i32
        %get3A_164 = arith.index_cast %select_n3A_147 : i32 to index
        %get3A_165 = arith.index_cast %select_n3A_163 : i32 to index
        %get3A_166 = arith.index_cast %mul3A_42 : i32 to index
        %get3A_167 = tpu.vector_load %arg4[%get3A_164, %get3A_165, %get3A_166] {strides = array<i32>} : memref<12x64x128xf32, #tpu.memory_space<vmem>>, vector<16xf32>,
        %min3A_168 = arith.minimumf %min3A, %get3A_167 : vector<16xf32>
        %max3A_169 = arith.maximumf %max3A, %get3A_167 : vector<16xf32>
        %scan3A_170 = arith.constant 2 : i32
        %scan3A_171 = arith.addi %scan3A_76, %scan3A_170 : i32
        %jit3A_172 = arith.constant 64 : i32
        %div3A_173 = arith.divsi %scan3A_171, %jit3A_172 : i32
        %sign3A_174 = arith.constant 0 : i32
        %sign3A_175 = arith.cmpi sgt, %scan3A_171, %sign3A_174 : i32
        %sign3A_176 = arith.extui %sign3A_175 : i1 to i32
        %sign3A_177 = arith.constant 0 : i32
        %sign3A_178 = arith.cmpi slt, %scan3A_171, %sign3A_177 : i32
        %sign3A_179 = arith.extui %sign3A_178 : i1 to i32
        %sign3A_180 = arith.subi %sign3A_176, %sign3A_179 : i32
        %sign3A_181 = arith.constant 0 : i32
        %sign3A_182 = arith.cmpi sgt, %jit3A_172, %sign3A_181 : i32
        %sign3A_183 = arith.extui %sign3A_182 : i1 to i32
        %sign3A_184 = arith.constant 0 : i32
        %sign3A_185 = arith.cmpi slt, %jit3A_172, %sign3A_184 : i32
        %sign3A_186 = arith.extui %sign3A_185 : i1 to i32
        %sign3A_187 = arith.subi %sign3A_183, %sign3A_186 : i32
        %ne3A_188 = arith.cmpi ne, %sign3A_180, %sign3A_187 : i32
        %rem3A_189 = arith.remsi %scan3A_171, %jit3A_172 : i32
        %ne3A_190 = arith.constant 0 : i32
        %ne3A_191 = arith.cmpi ne, %rem3A_189, %ne3A_190 : i32
        %and3A_192 = arith.andi %ne3A_188, %ne3A_191 : i1
        %sub3A_193 = arith.constant 1 : i32
        %sub3A_194 = arith.subi %div3A_173, %sub3A_193 : i32
        %select_n3A_195 = arith.select %and3A_192, %sub3A_194, %div3A_173 : i32
        %jit3A_196 = arith.constant 64 : i32
        %eq3A_197 = arith.constant 0 : i32
        %eq3A_198 = arith.cmpi eq, %jit3A_196, %eq3A_197 : i32
        %jit3A_199 = arith.constant 1 : i32
        %select_n3A_200 = arith.select %eq3A_198, %jit3A_199, %jit3A_196 : i32
        %rem3A_201 = arith.remsi %scan3A_171, %select_n3A_200 : i32
        %ne3A_202 = arith.constant 0 : i32
        %ne3A_203 = arith.cmpi ne, %rem3A_201, %ne3A_202 : i32
        %lt3A_204 = arith.constant 0 : i32
        %lt3A_205 = arith.cmpi slt, %rem3A_201, %lt3A_204 : i32
        %lt3A_206 = arith.constant 0 : i32
        %lt3A_207 = arith.cmpi slt, %select_n3A_200, %lt3A_206 : i32
        %ne3A_208 = arith.xori %lt3A_205, %lt3A_207 : i1
        %and3A_209 = arith.andi %ne3A_208, %ne3A_203 : i1
        %add3A_210 = arith.addi %rem3A_201, %select_n3A_200 : i32
        %select_n3A_211 = arith.select %and3A_209, %add3A_210, %rem3A_201 : i32
        %get3A_212 = arith.index_cast %select_n3A_195 : i32 to index
        %get3A_213 = arith.index_cast %select_n3A_211 : i32 to index
        %get3A_214 = arith.index_cast %mul3A_42 : i32 to index
        %get3A_215 = tpu.vector_load %arg4[%get3A_212, %get3A_213, %get3A_214] {strides = array<i32>} : memref<12x64x128xf32, #tpu.memory_space<vmem>>, vector<16xf32>,
        %min3A_216 = arith.minimumf %min3A_168, %get3A_215 : vector<16xf32>
        %max3A_217 = arith.maximumf %max3A_169, %get3A_215 : vector<16xf32>
        %scan3A_218 = arith.constant 3 : i32
        %scan3A_219 = arith.addi %scan3A_76, %scan3A_218 : i32
        %jit3A_220 = arith.constant 64 : i32
        %div3A_221 = arith.divsi %scan3A_219, %jit3A_220 : i32
        %sign3A_222 = arith.constant 0 : i32
        %sign3A_223 = arith.cmpi sgt, %scan3A_219, %sign3A_222 : i32
        %sign3A_224 = arith.extui %sign3A_223 : i1 to i32
        %sign3A_225 = arith.constant 0 : i32
        %sign3A_226 = arith.cmpi slt, %scan3A_219, %sign3A_225 : i32
        %sign3A_227 = arith.extui %sign3A_226 : i1 to i32
        %sign3A_228 = arith.subi %sign3A_224, %sign3A_227 : i32
        %sign3A_229 = arith.constant 0 : i32
        %sign3A_230 = arith.cmpi sgt, %jit3A_220, %sign3A_229 : i32
        %sign3A_231 = arith.extui %sign3A_230 : i1 to i32
        %sign3A_232 = arith.constant 0 : i32
        %sign3A_233 = arith.cmpi slt, %jit3A_220, %sign3A_232 : i32
        %sign3A_234 = arith.extui %sign3A_233 : i1 to i32
        %sign3A_235 = arith.subi %sign3A_231, %sign3A_234 : i32
        %ne3A_236 = arith.cmpi ne, %sign3A_228, %sign3A_235 : i32
        %rem3A_237 = arith.remsi %scan3A_219, %jit3A_220 : i32
        %ne3A_238 = arith.constant 0 : i32
        %ne3A_239 = arith.cmpi ne, %rem3A_237, %ne3A_238 : i32
        %and3A_240 = arith.andi %ne3A_236, %ne3A_239 : i1
        %sub3A_241 = arith.constant 1 : i32
        %sub3A_242 = arith.subi %div3A_221, %sub3A_241 : i32
        %select_n3A_243 = arith.select %and3A_240, %sub3A_242, %div3A_221 : i32
        %jit3A_244 = arith.constant 64 : i32
        %eq3A_245 = arith.constant 0 : i32
        %eq3A_246 = arith.cmpi eq, %jit3A_244, %eq3A_245 : i32
        %jit3A_247 = arith.constant 1 : i32
        %select_n3A_248 = arith.select %eq3A_246, %jit3A_247, %jit3A_244 : i32
        %rem3A_249 = arith.remsi %scan3A_219, %select_n3A_248 : i32
        %ne3A_250 = arith.constant 0 : i32
        %ne3A_251 = arith.cmpi ne, %rem3A_249, %ne3A_250 : i32
        %lt3A_252 = arith.constant 0 : i32
        %lt3A_253 = arith.cmpi slt, %rem3A_249, %lt3A_252 : i32
        %lt3A_254 = arith.constant 0 : i32
        %lt3A_255 = arith.cmpi slt, %select_n3A_248, %lt3A_254 : i32
        %ne3A_256 = arith.xori %lt3A_253, %lt3A_255 : i1
        %and3A_257 = arith.andi %ne3A_256, %ne3A_251 : i1
        %add3A_258 = arith.addi %rem3A_249, %select_n3A_248 : i32
        %select_n3A_259 = arith.select %and3A_257, %add3A_258, %rem3A_249 : i32
        %get3A_260 = arith.index_cast %select_n3A_243 : i32 to index
        %get3A_261 = arith.index_cast %select_n3A_259 : i32 to index
        %get3A_262 = arith.index_cast %mul3A_42 : i32 to index
        %get3A_263 = tpu.vector_load %arg4[%get3A_260, %get3A_261, %get3A_262] {strides = array<i32>} : memref<12x64x128xf32, #tpu.memory_space<vmem>>, vector<16xf32>,
        %min3A_264 = arith.minimumf %min3A_216, %get3A_263 : vector<16xf32>
        %max3A_265 = arith.maximumf %max3A_217, %get3A_263 : vector<16xf32>
        %scan3A_266 = arith.constant 4 : i32
        %scan3A_267 = arith.addi %scan3A_76, %scan3A_266 : i32
        %jit3A_268 = arith.constant 64 : i32
        %div3A_269 = arith.divsi %scan3A_267, %jit3A_268 : i32
        %sign3A_270 = arith.constant 0 : i32
        %sign3A_271 = arith.cmpi sgt, %scan3A_267, %sign3A_270 : i32
        %sign3A_272 = arith.extui %sign3A_271 : i1 to i32
        %sign3A_273 = arith.constant 0 : i32
        %sign3A_274 = arith.cmpi slt, %scan3A_267, %sign3A_273 : i32
        %sign3A_275 = arith.extui %sign3A_274 : i1 to i32
        %sign3A_276 = arith.subi %sign3A_272, %sign3A_275 : i32
        %sign3A_277 = arith.constant 0 : i32
        %sign3A_278 = arith.cmpi sgt, %jit3A_268, %sign3A_277 : i32
        %sign3A_279 = arith.extui %sign3A_278 : i1 to i32
        %sign3A_280 = arith.constant 0 : i32
        %sign3A_281 = arith.cmpi slt, %jit3A_268, %sign3A_280 : i32
        %sign3A_282 = arith.extui %sign3A_281 : i1 to i32
        %sign3A_283 = arith.subi %sign3A_279, %sign3A_282 : i32
        %ne3A_284 = arith.cmpi ne, %sign3A_276, %sign3A_283 : i32
        %rem3A_285 = arith.remsi %scan3A_267, %jit3A_268 : i32
        %ne3A_286 = arith.constant 0 : i32
        %ne3A_287 = arith.cmpi ne, %rem3A_285, %ne3A_286 : i32
        %and3A_288 = arith.andi %ne3A_284, %ne3A_287 : i1
        %sub3A_289 = arith.constant 1 : i32
        %sub3A_290 = arith.subi %div3A_269, %sub3A_289 : i32
        %select_n3A_291 = arith.select %and3A_288, %sub3A_290, %div3A_269 : i32
        %jit3A_292 = arith.constant 64 : i32
        %eq3A_293 = arith.constant 0 : i32
        %eq3A_294 = arith.cmpi eq, %jit3A_292, %eq3A_293 : i32
        %jit3A_295 = arith.constant 1 : i32
        %select_n3A_296 = arith.select %eq3A_294, %jit3A_295, %jit3A_292 : i32
        %rem3A_297 = arith.remsi %scan3A_267, %select_n3A_296 : i32
        %ne3A_298 = arith.constant 0 : i32
        %ne3A_299 = arith.cmpi ne, %rem3A_297, %ne3A_298 : i32
        %lt3A_300 = arith.constant 0 : i32
        %lt3A_301 = arith.cmpi slt, %rem3A_297, %lt3A_300 : i32
        %lt3A_302 = arith.constant 0 : i32
        %lt3A_303 = arith.cmpi slt, %select_n3A_296, %lt3A_302 : i32
        %ne3A_304 = arith.xori %lt3A_301, %lt3A_303 : i1
        %and3A_305 = arith.andi %ne3A_304, %ne3A_299 : i1
        %add3A_306 = arith.addi %rem3A_297, %select_n3A_296 : i32
        %select_n3A_307 = arith.select %and3A_305, %add3A_306, %rem3A_297 : i32
        %get3A_308 = arith.index_cast %select_n3A_291 : i32 to index
        %get3A_309 = arith.index_cast %select_n3A_307 : i32 to index
        %get3A_310 = arith.index_cast %mul3A_42 : i32 to index
        %get3A_311 = tpu.vector_load %arg4[%get3A_308, %get3A_309, %get3A_310] {strides = array<i32>} : memref<12x64x128xf32, #tpu.memory_space<vmem>>, vector<16xf32>,
        %min3A_312 = arith.minimumf %min3A_264, %get3A_311 : vector<16xf32>
        %max3A_313 = arith.maximumf %max3A_265, %get3A_311 : vector<16xf32>
        %scan3A_314 = arith.constant 5 : i32
        %scan3A_315 = arith.addi %scan3A_76, %scan3A_314 : i32
        %jit3A_316 = arith.constant 64 : i32
        %div3A_317 = arith.divsi %scan3A_315, %jit3A_316 : i32
        %sign3A_318 = arith.constant 0 : i32
        %sign3A_319 = arith.cmpi sgt, %scan3A_315, %sign3A_318 : i32
        %sign3A_320 = arith.extui %sign3A_319 : i1 to i32
        %sign3A_321 = arith.constant 0 : i32
        %sign3A_322 = arith.cmpi slt, %scan3A_315, %sign3A_321 : i32
        %sign3A_323 = arith.extui %sign3A_322 : i1 to i32
        %sign3A_324 = arith.subi %sign3A_320, %sign3A_323 : i32
        %sign3A_325 = arith.constant 0 : i32
        %sign3A_326 = arith.cmpi sgt, %jit3A_316, %sign3A_325 : i32
        %sign3A_327 = arith.extui %sign3A_326 : i1 to i32
        %sign3A_328 = arith.constant 0 : i32
        %sign3A_329 = arith.cmpi slt, %jit3A_316, %sign3A_328 : i32
        %sign3A_330 = arith.extui %sign3A_329 : i1 to i32
        %sign3A_331 = arith.subi %sign3A_327, %sign3A_330 : i32
        %ne3A_332 = arith.cmpi ne, %sign3A_324, %sign3A_331 : i32
        %rem3A_333 = arith.remsi %scan3A_315, %jit3A_316 : i32
        %ne3A_334 = arith.constant 0 : i32
        %ne3A_335 = arith.cmpi ne, %rem3A_333, %ne3A_334 : i32
        %and3A_336 = arith.andi %ne3A_332, %ne3A_335 : i1
        %sub3A_337 = arith.constant 1 : i32
        %sub3A_338 = arith.subi %div3A_317, %sub3A_337 : i32
        %select_n3A_339 = arith.select %and3A_336, %sub3A_338, %div3A_317 : i32
        %jit3A_340 = arith.constant 64 : i32
        %eq3A_341 = arith.constant 0 : i32
        %eq3A_342 = arith.cmpi eq, %jit3A_340, %eq3A_341 : i32
        %jit3A_343 = arith.constant 1 : i32
        %select_n3A_344 = arith.select %eq3A_342, %jit3A_343, %jit3A_340 : i32
        %rem3A_345 = arith.remsi %scan3A_315, %select_n3A_344 : i32
        %ne3A_346 = arith.constant 0 : i32
        %ne3A_347 = arith.cmpi ne, %rem3A_345, %ne3A_346 : i32
        %lt3A_348 = arith.constant 0 : i32
        %lt3A_349 = arith.cmpi slt, %rem3A_345, %lt3A_348 : i32
        %lt3A_350 = arith.constant 0 : i32
        %lt3A_351 = arith.cmpi slt, %select_n3A_344, %lt3A_350 : i32
        %ne3A_352 = arith.xori %lt3A_349, %lt3A_351 : i1
        %and3A_353 = arith.andi %ne3A_352, %ne3A_347 : i1
        %add3A_354 = arith.addi %rem3A_345, %select_n3A_344 : i32
        %select_n3A_355 = arith.select %and3A_353, %add3A_354, %rem3A_345 : i32
        %get3A_356 = arith.index_cast %select_n3A_339 : i32 to index
        %get3A_357 = arith.index_cast %select_n3A_355 : i32 to index
        %get3A_358 = arith.index_cast %mul3A_42 : i32 to index
        %get3A_359 = tpu.vector_load %arg4[%get3A_356, %get3A_357, %get3A_358] {strides = array<i32>} : memref<12x64x128xf32, #tpu.memory_space<vmem>>, vector<16xf32>,
        %min3A_360 = arith.minimumf %min3A_312, %get3A_359 : vector<16xf32>
        %max3A_361 = arith.maximumf %max3A_313, %get3A_359 : vector<16xf32>
        %scan3A_362 = arith.constant 6 : i32
        %scan3A_363 = arith.addi %scan3A_76, %scan3A_362 : i32
        %jit3A_364 = arith.constant 64 : i32
        %div3A_365 = arith.divsi %scan3A_363, %jit3A_364 : i32
        %sign3A_366 = arith.constant 0 : i32
        %sign3A_367 = arith.cmpi sgt, %scan3A_363, %sign3A_366 : i32
        %sign3A_368 = arith.extui %sign3A_367 : i1 to i32
        %sign3A_369 = arith.constant 0 : i32
        %sign3A_370 = arith.cmpi slt, %scan3A_363, %sign3A_369 : i32
        %sign3A_371 = arith.extui %sign3A_370 : i1 to i32
        %sign3A_372 = arith.subi %sign3A_368, %sign3A_371 : i32
        %sign3A_373 = arith.constant 0 : i32
        %sign3A_374 = arith.cmpi sgt, %jit3A_364, %sign3A_373 : i32
        %sign3A_375 = arith.extui %sign3A_374 : i1 to i32
        %sign3A_376 = arith.constant 0 : i32
        %sign3A_377 = arith.cmpi slt, %jit3A_364, %sign3A_376 : i32
        %sign3A_378 = arith.extui %sign3A_377 : i1 to i32
        %sign3A_379 = arith.subi %sign3A_375, %sign3A_378 : i32
        %ne3A_380 = arith.cmpi ne, %sign3A_372, %sign3A_379 : i32
        %rem3A_381 = arith.remsi %scan3A_363, %jit3A_364 : i32
        %ne3A_382 = arith.constant 0 : i32
        %ne3A_383 = arith.cmpi ne, %rem3A_381, %ne3A_382 : i32
        %and3A_384 = arith.andi %ne3A_380, %ne3A_383 : i1
        %sub3A_385 = arith.constant 1 : i32
        %sub3A_386 = arith.subi %div3A_365, %sub3A_385 : i32
        %select_n3A_387 = arith.select %and3A_384, %sub3A_386, %div3A_365 : i32
        %jit3A_388 = arith.constant 64 : i32
        %eq3A_389 = arith.constant 0 : i32
        %eq3A_390 = arith.cmpi eq, %jit3A_388, %eq3A_389 : i32
        %jit3A_391 = arith.constant 1 : i32
        %select_n3A_392 = arith.select %eq3A_390, %jit3A_391, %jit3A_388 : i32
        %rem3A_393 = arith.remsi %scan3A_363, %select_n3A_392 : i32
        %ne3A_394 = arith.constant 0 : i32
        %ne3A_395 = arith.cmpi ne, %rem3A_393, %ne3A_394 : i32
        %lt3A_396 = arith.constant 0 : i32
        %lt3A_397 = arith.cmpi slt, %rem3A_393, %lt3A_396 : i32
        %lt3A_398 = arith.constant 0 : i32
        %lt3A_399 = arith.cmpi slt, %select_n3A_392, %lt3A_398 : i32
        %ne3A_400 = arith.xori %lt3A_397, %lt3A_399 : i1
        %and3A_401 = arith.andi %ne3A_400, %ne3A_395 : i1
        %add3A_402 = arith.addi %rem3A_393, %select_n3A_392 : i32
        %select_n3A_403 = arith.select %and3A_401, %add3A_402, %rem3A_393 : i32
        %get3A_404 = arith.index_cast %select_n3A_387 : i32 to index
        %get3A_405 = arith.index_cast %select_n3A_403 : i32 to index
        %get3A_406 = arith.index_cast %mul3A_42 : i32 to index
        %get3A_407 = tpu.vector_load %arg4[%get3A_404, %get3A_405, %get3A_406] {strides = array<i32>} : memref<12x64x128xf32, #tpu.memory_space<vmem>>, vector<16xf32>,
        %min3A_408 = arith.minimumf %min3A_360, %get3A_407 : vector<16xf32>
        %max3A_409 = arith.maximumf %max3A_361, %get3A_407 : vector<16xf32>
        %scan3A_410 = arith.constant 7 : i32
        %scan3A_411 = arith.addi %scan3A_76, %scan3A_410 : i32
        %jit3A_412 = arith.constant 64 : i32
        %div3A_413 = arith.divsi %scan3A_411, %jit3A_412 : i32
        %sign3A_414 = arith.constant 0 : i32
        %sign3A_415 = arith.cmpi sgt, %scan3A_411, %sign3A_414 : i32
        %sign3A_416 = arith.extui %sign3A_415 : i1 to i32
        %sign3A_417 = arith.constant 0 : i32
        %sign3A_418 = arith.cmpi slt, %scan3A_411, %sign3A_417 : i32
        %sign3A_419 = arith.extui %sign3A_418 : i1 to i32
        %sign3A_420 = arith.subi %sign3A_416, %sign3A_419 : i32
        %sign3A_421 = arith.constant 0 : i32
        %sign3A_422 = arith.cmpi sgt, %jit3A_412, %sign3A_421 : i32
        %sign3A_423 = arith.extui %sign3A_422 : i1 to i32
        %sign3A_424 = arith.constant 0 : i32
        %sign3A_425 = arith.cmpi slt, %jit3A_412, %sign3A_424 : i32
        %sign3A_426 = arith.extui %sign3A_425 : i1 to i32
        %sign3A_427 = arith.subi %sign3A_423, %sign3A_426 : i32
        %ne3A_428 = arith.cmpi ne, %sign3A_420, %sign3A_427 : i32
        %rem3A_429 = arith.remsi %scan3A_411, %jit3A_412 : i32
        %ne3A_430 = arith.constant 0 : i32
        %ne3A_431 = arith.cmpi ne, %rem3A_429, %ne3A_430 : i32
        %and3A_432 = arith.andi %ne3A_428, %ne3A_431 : i1
        %sub3A_433 = arith.constant 1 : i32
        %sub3A_434 = arith.subi %div3A_413, %sub3A_433 : i32
        %select_n3A_435 = arith.select %and3A_432, %sub3A_434, %div3A_413 : i32
        %jit3A_436 = arith.constant 64 : i32
        %eq3A_437 = arith.constant 0 : i32
        %eq3A_438 = arith.cmpi eq, %jit3A_436, %eq3A_437 : i32
        %jit3A_439 = arith.constant 1 : i32
        %select_n3A_440 = arith.select %eq3A_438, %jit3A_439, %jit3A_436 : i32
        %rem3A_441 = arith.remsi %scan3A_411, %select_n3A_440 : i32
        %ne3A_442 = arith.constant 0 : i32
        %ne3A_443 = arith.cmpi ne, %rem3A_441, %ne3A_442 : i32
        %lt3A_444 = arith.constant 0 : i32
        %lt3A_445 = arith.cmpi slt, %rem3A_441, %lt3A_444 : i32
        %lt3A_446 = arith.constant 0 : i32
        %lt3A_447 = arith.cmpi slt, %select_n3A_440, %lt3A_446 : i32
        %ne3A_448 = arith.xori %lt3A_445, %lt3A_447 : i1
        %and3A_449 = arith.andi %ne3A_448, %ne3A_443 : i1
        %add3A_450 = arith.addi %rem3A_441, %select_n3A_440 : i32
        %select_n3A_451 = arith.select %and3A_449, %add3A_450, %rem3A_441 : i32
        %get3A_452 = arith.index_cast %select_n3A_435 : i32 to index
        %get3A_453 = arith.index_cast %select_n3A_451 : i32 to index
        %get3A_454 = arith.index_cast %mul3A_42 : i32 to index
        %get3A_455 = tpu.vector_load %arg4[%get3A_452, %get3A_453, %get3A_454] {strides = array<i32>} : memref<12x64x128xf32, #tpu.memory_space<vmem>>, vector<16xf32>,
        %min3A_456 = arith.minimumf %min3A_408, %get3A_455 : vector<16xf32>
        %max3A_457 = arith.maximumf %max3A_409, %get3A_455 : vector<16xf32>
        scf.yield %min3A_456, %max3A_457 : vector<16xf32>, vector<16xf32>
      }
      %scan3A_51 = arith.constant 768 : i32
      %sub3A_52 = arith.subf %scan3A_50#1, %scan3A_50#0 : vector<16xf32>
      %div3A_53 = arith.constant 2.550000e+02 : f32
      %div3A_54 = vector.broadcast %div3A_53 : f32 to vector<16xf32>
      %div3A_55 = arith.divf %sub3A_52, %div3A_54 : vector<16xf32>
      %div3A_56 = arith.constant 1.000000e+00 : f32
      %div3A_57 = vector.broadcast %div3A_56 : f32 to vector<16xf32>
      %div3A_58 = arith.divf %div3A_57, %div3A_55 : vector<16xf32>
      %neg3A = arith.constant 0.000000e+00 : f32
      %neg3A_59 = vector.broadcast %neg3A : f32 to vector<16xf32>
      %neg3A_60 = arith.subf %neg3A_59, %scan3A_50#0 : vector<16xf32>
      %mul3A_61 = arith.mulf %neg3A_60, %div3A_58 : vector<16xf32>
      %add3A_62 = arith.constant 0x4B400000 : f32
      %add3A_63 = vector.broadcast %add3A_62 : f32 to vector<16xf32>
      %add3A_64 = arith.addf %mul3A_61, %add3A_63 : vector<16xf32>
      %sub3A_65 = arith.constant 0x4B400000 : f32
      %sub3A_66 = vector.broadcast %sub3A_65 : f32 to vector<16xf32>
      %sub3A_67 = arith.subf %add3A_64, %sub3A_66 : vector<16xf32>
      %scan3A_68 = arith.constant 0 : i32
      %scan3A_69 = arith.constant 0 : i32
      %scan3A_70 = arith.constant 768 : i32
      %scan3A_71 = arith.addi %scan3A_69, %scan3A_70 : i32
      %scan3A_72 = arith.constant 8 : i32
      %scan3A_73 = scf.for %scan3A_76 = %scan3A_69 to %scan3A_71 step %scan3A_72 iter_args(%scan3A_77 = %scan3A_68) -> (i32)  : i32 {
        %jit3A_78 = arith.constant 64 : i32
        %div3A_79 = arith.divsi %scan3A_76, %jit3A_78 : i32
        %sign3A_80 = arith.constant 0 : i32
        %sign3A_81 = arith.cmpi sgt, %scan3A_76, %sign3A_80 : i32
        %sign3A_82 = arith.extui %sign3A_81 : i1 to i32
        %sign3A_83 = arith.constant 0 : i32
        %sign3A_84 = arith.cmpi slt, %scan3A_76, %sign3A_83 : i32
        %sign3A_85 = arith.extui %sign3A_84 : i1 to i32
        %sign3A_86 = arith.subi %sign3A_82, %sign3A_85 : i32
        %sign3A_87 = arith.constant 0 : i32
        %sign3A_88 = arith.cmpi sgt, %jit3A_78, %sign3A_87 : i32
        %sign3A_89 = arith.extui %sign3A_88 : i1 to i32
        %sign3A_90 = arith.constant 0 : i32
        %sign3A_91 = arith.cmpi slt, %jit3A_78, %sign3A_90 : i32
        %sign3A_92 = arith.extui %sign3A_91 : i1 to i32
        %sign3A_93 = arith.subi %sign3A_89, %sign3A_92 : i32
        %ne3A_94 = arith.cmpi ne, %sign3A_86, %sign3A_93 : i32
        %rem3A_95 = arith.remsi %scan3A_76, %jit3A_78 : i32
        %ne3A_96 = arith.constant 0 : i32
        %ne3A_97 = arith.cmpi ne, %rem3A_95, %ne3A_96 : i32
        %and3A_98 = arith.andi %ne3A_94, %ne3A_97 : i1
        %sub3A_99 = arith.constant 1 : i32
        %sub3A_100 = arith.subi %div3A_79, %sub3A_99 : i32
        %select_n3A_101 = arith.select %and3A_98, %sub3A_100, %div3A_79 : i32
        %jit3A_102 = arith.constant 64 : i32
        %eq3A_103 = arith.constant 0 : i32
        %eq3A_104 = arith.cmpi eq, %jit3A_102, %eq3A_103 : i32
        %jit3A_105 = arith.constant 1 : i32
        %select_n3A_106 = arith.select %eq3A_104, %jit3A_105, %jit3A_102 : i32
        %rem3A_107 = arith.remsi %scan3A_76, %select_n3A_106 : i32
        %ne3A_108 = arith.constant 0 : i32
        %ne3A_109 = arith.cmpi ne, %rem3A_107, %ne3A_108 : i32
        %lt3A_110 = arith.constant 0 : i32
        %lt3A_111 = arith.cmpi slt, %rem3A_107, %lt3A_110 : i32
        %lt3A_112 = arith.constant 0 : i32
        %lt3A_113 = arith.cmpi slt, %select_n3A_106, %lt3A_112 : i32
        %ne3A_114 = arith.xori %lt3A_111, %lt3A_113 : i1
        %and3A_115 = arith.andi %ne3A_114, %ne3A_109 : i1
        %add3A_116 = arith.addi %rem3A_107, %select_n3A_106 : i32
        %select_n3A_117 = arith.select %and3A_115, %add3A_116, %rem3A_107 : i32
        %get3A = arith.index_cast %select_n3A_101 : i32 to index
        %get3A_118 = arith.index_cast %select_n3A_117 : i32 to index
        %get3A_119 = arith.index_cast %mul3A_42 : i32 to index
        %get3A_120 = tpu.vector_load %arg4[%get3A, %get3A_118, %get3A_119] {strides = array<i32>} : memref<12x64x128xf32, #tpu.memory_space<vmem>>, vector<16xf32>,
        %mul3A_121 = arith.mulf %get3A_120, %div3A_58 : vector<16xf32>
        %add3A_122 = arith.constant 0x4B400000 : f32
        %add3A_123 = vector.broadcast %add3A_122 : f32 to vector<16xf32>
        %add3A_124 = arith.addf %mul3A_121, %add3A_123 : vector<16xf32>
        %sub3A_125 = arith.constant 0x4B400000 : f32
        %sub3A_126 = vector.broadcast %sub3A_125 : f32 to vector<16xf32>
        %sub3A_127 = arith.subf %add3A_124, %sub3A_126 : vector<16xf32>
        %add3A_128 = arith.addf %sub3A_127, %sub3A_67 : vector<16xf32>
        %jit3A_129 = arith.constant 0.000000e+00 : f32
        %jit3A_130 = arith.constant 2.550000e+02 : f32
        %max3A = vector.broadcast %jit3A_129 : f32 to vector<16xf32>
        %max3A_131 = arith.maximumf %max3A, %add3A_128 : vector<16xf32>
        %min3A = vector.broadcast %jit3A_130 : f32 to vector<16xf32>
        %min3A_132 = arith.minimumf %min3A, %max3A_131 : vector<16xf32>
        %sub3A_133 = arith.subf %min3A_132, %sub3A_67 : vector<16xf32>
        %mul3A_134 = arith.mulf %sub3A_133, %div3A_55 : vector<16xf32>
        %swap3A = arith.index_cast %select_n3A_101 : i32 to index
        %swap3A_135 = arith.index_cast %select_n3A_117 : i32 to index
        %swap3A_136 = arith.index_cast %mul3A_42 : i32 to index
        %swap3A_137 = tpu.vector_load %arg4[%swap3A, %swap3A_135, %swap3A_136] {strides = array<i32>} : memref<12x64x128xf32, #tpu.memory_space<vmem>>, vector<16xf32>,
        tpu.vector_store %arg4[%swap3A, %swap3A_135, %swap3A_136], %mul3A_134 {strides = array<i32>} : memref<12x64x128xf32, #tpu.memory_space<vmem>>, vector<16xf32>,
        %scan3A_138 = arith.constant 0 : i32
        %scan3A_139 = arith.constant 1 : i32
        %scan3A_140 = arith.addi %scan3A_76, %scan3A_139 : i32
        %jit3A_141 = arith.constant 64 : i32
        %div3A_142 = arith.divsi %scan3A_140, %jit3A_141 : i32
        %sign3A_143 = arith.constant 0 : i32
        %sign3A_144 = arith.cmpi sgt, %scan3A_140, %sign3A_143 : i32
        %sign3A_145 = arith.extui %sign3A_144 : i1 to i32
        %sign3A_146 = arith.constant 0 : i32
        %sign3A_147 = arith.cmpi slt, %scan3A_140, %sign3A_146 : i32
        %sign3A_148 = arith.extui %sign3A_147 : i1 to i32
        %sign3A_149 = arith.subi %sign3A_145, %sign3A_148 : i32
        %sign3A_150 = arith.constant 0 : i32
        %sign3A_151 = arith.cmpi sgt, %jit3A_141, %sign3A_150 : i32
        %sign3A_152 = arith.extui %sign3A_151 : i1 to i32
        %sign3A_153 = arith.constant 0 : i32
        %sign3A_154 = arith.cmpi slt, %jit3A_141, %sign3A_153 : i32
        %sign3A_155 = arith.extui %sign3A_154 : i1 to i32
        %sign3A_156 = arith.subi %sign3A_152, %sign3A_155 : i32
        %ne3A_157 = arith.cmpi ne, %sign3A_149, %sign3A_156 : i32
        %rem3A_158 = arith.remsi %scan3A_140, %jit3A_141 : i32
        %ne3A_159 = arith.constant 0 : i32
        %ne3A_160 = arith.cmpi ne, %rem3A_158, %ne3A_159 : i32
        %and3A_161 = arith.andi %ne3A_157, %ne3A_160 : i1
        %sub3A_162 = arith.constant 1 : i32
        %sub3A_163 = arith.subi %div3A_142, %sub3A_162 : i32
        %select_n3A_164 = arith.select %and3A_161, %sub3A_163, %div3A_142 : i32
        %jit3A_165 = arith.constant 64 : i32
        %eq3A_166 = arith.constant 0 : i32
        %eq3A_167 = arith.cmpi eq, %jit3A_165, %eq3A_166 : i32
        %jit3A_168 = arith.constant 1 : i32
        %select_n3A_169 = arith.select %eq3A_167, %jit3A_168, %jit3A_165 : i32
        %rem3A_170 = arith.remsi %scan3A_140, %select_n3A_169 : i32
        %ne3A_171 = arith.constant 0 : i32
        %ne3A_172 = arith.cmpi ne, %rem3A_170, %ne3A_171 : i32
        %lt3A_173 = arith.constant 0 : i32
        %lt3A_174 = arith.cmpi slt, %rem3A_170, %lt3A_173 : i32
        %lt3A_175 = arith.constant 0 : i32
        %lt3A_176 = arith.cmpi slt, %select_n3A_169, %lt3A_175 : i32
        %ne3A_177 = arith.xori %lt3A_174, %lt3A_176 : i1
        %and3A_178 = arith.andi %ne3A_177, %ne3A_172 : i1
        %add3A_179 = arith.addi %rem3A_170, %select_n3A_169 : i32
        %select_n3A_180 = arith.select %and3A_178, %add3A_179, %rem3A_170 : i32
        %get3A_181 = arith.index_cast %select_n3A_164 : i32 to index
        %get3A_182 = arith.index_cast %select_n3A_180 : i32 to index
        %get3A_183 = arith.index_cast %mul3A_42 : i32 to index
        %get3A_184 = tpu.vector_load %arg4[%get3A_181, %get3A_182, %get3A_183] {strides = array<i32>} : memref<12x64x128xf32, #tpu.memory_space<vmem>>, vector<16xf32>,
        %mul3A_185 = arith.mulf %get3A_184, %div3A_58 : vector<16xf32>
        %add3A_186 = arith.constant 0x4B400000 : f32
        %add3A_187 = vector.broadcast %add3A_186 : f32 to vector<16xf32>
        %add3A_188 = arith.addf %mul3A_185, %add3A_187 : vector<16xf32>
        %sub3A_189 = arith.constant 0x4B400000 : f32
        %sub3A_190 = vector.broadcast %sub3A_189 : f32 to vector<16xf32>
        %sub3A_191 = arith.subf %add3A_188, %sub3A_190 : vector<16xf32>
        %add3A_192 = arith.addf %sub3A_191, %sub3A_67 : vector<16xf32>
        %jit3A_193 = arith.constant 0.000000e+00 : f32
        %jit3A_194 = arith.constant 2.550000e+02 : f32
        %max3A_195 = vector.broadcast %jit3A_193 : f32 to vector<16xf32>
        %max3A_196 = arith.maximumf %max3A_195, %add3A_192 : vector<16xf32>
        %min3A_197 = vector.broadcast %jit3A_194 : f32 to vector<16xf32>
        %min3A_198 = arith.minimumf %min3A_197, %max3A_196 : vector<16xf32>
        %sub3A_199 = arith.subf %min3A_198, %sub3A_67 : vector<16xf32>
        %mul3A_200 = arith.mulf %sub3A_199, %div3A_55 : vector<16xf32>
        %swap3A_201 = arith.index_cast %select_n3A_164 : i32 to index
        %swap3A_202 = arith.index_cast %select_n3A_180 : i32 to index
        %swap3A_203 = arith.index_cast %mul3A_42 : i32 to index
        %swap3A_204 = tpu.vector_load %arg4[%swap3A_201, %swap3A_202, %swap3A_203] {strides = array<i32>} : memref<12x64x128xf32, #tpu.memory_space<vmem>>, vector<16xf32>,
        tpu.vector_store %arg4[%swap3A_201, %swap3A_202, %swap3A_203], %mul3A_200 {strides = array<i32>} : memref<12x64x128xf32, #tpu.memory_space<vmem>>, vector<16xf32>,
        %scan3A_205 = arith.constant 0 : i32
        %scan3A_206 = arith.constant 2 : i32
        %scan3A_207 = arith.addi %scan3A_76, %scan3A_206 : i32
        %jit3A_208 = arith.constant 64 : i32
        %div3A_209 = arith.divsi %scan3A_207, %jit3A_208 : i32
        %sign3A_210 = arith.constant 0 : i32
        %sign3A_211 = arith.cmpi sgt, %scan3A_207, %sign3A_210 : i32
        %sign3A_212 = arith.extui %sign3A_211 : i1 to i32
        %sign3A_213 = arith.constant 0 : i32
        %sign3A_214 = arith.cmpi slt, %scan3A_207, %sign3A_213 : i32
        %sign3A_215 = arith.extui %sign3A_214 : i1 to i32
        %sign3A_216 = arith.subi %sign3A_212, %sign3A_215 : i32
        %sign3A_217 = arith.constant 0 : i32
        %sign3A_218 = arith.cmpi sgt, %jit3A_208, %sign3A_217 : i32
        %sign3A_219 = arith.extui %sign3A_218 : i1 to i32
        %sign3A_220 = arith.constant 0 : i32
        %sign3A_221 = arith.cmpi slt, %jit3A_208, %sign3A_220 : i32
        %sign3A_222 = arith.extui %sign3A_221 : i1 to i32
        %sign3A_223 = arith.subi %sign3A_219, %sign3A_222 : i32
        %ne3A_224 = arith.cmpi ne, %sign3A_216, %sign3A_223 : i32
        %rem3A_225 = arith.remsi %scan3A_207, %jit3A_208 : i32
        %ne3A_226 = arith.constant 0 : i32
        %ne3A_227 = arith.cmpi ne, %rem3A_225, %ne3A_226 : i32
        %and3A_228 = arith.andi %ne3A_224, %ne3A_227 : i1
        %sub3A_229 = arith.constant 1 : i32
        %sub3A_230 = arith.subi %div3A_209, %sub3A_229 : i32
        %select_n3A_231 = arith.select %and3A_228, %sub3A_230, %div3A_209 : i32
        %jit3A_232 = arith.constant 64 : i32
        %eq3A_233 = arith.constant 0 : i32
        %eq3A_234 = arith.cmpi eq, %jit3A_232, %eq3A_233 : i32
        %jit3A_235 = arith.constant 1 : i32
        %select_n3A_236 = arith.select %eq3A_234, %jit3A_235, %jit3A_232 : i32
        %rem3A_237 = arith.remsi %scan3A_207, %select_n3A_236 : i32
        %ne3A_238 = arith.constant 0 : i32
        %ne3A_239 = arith.cmpi ne, %rem3A_237, %ne3A_238 : i32
        %lt3A_240 = arith.constant 0 : i32
        %lt3A_241 = arith.cmpi slt, %rem3A_237, %lt3A_240 : i32
        %lt3A_242 = arith.constant 0 : i32
        %lt3A_243 = arith.cmpi slt, %select_n3A_236, %lt3A_242 : i32
        %ne3A_244 = arith.xori %lt3A_241, %lt3A_243 : i1
        %and3A_245 = arith.andi %ne3A_244, %ne3A_239 : i1
        %add3A_246 = arith.addi %rem3A_237, %select_n3A_236 : i32
        %select_n3A_247 = arith.select %and3A_245, %add3A_246, %rem3A_237 : i32
        %get3A_248 = arith.index_cast %select_n3A_231 : i32 to index
        %get3A_249 = arith.index_cast %select_n3A_247 : i32 to index
        %get3A_250 = arith.index_cast %mul3A_42 : i32 to index
        %get3A_251 = tpu.vector_load %arg4[%get3A_248, %get3A_249, %get3A_250] {strides = array<i32>} : memref<12x64x128xf32, #tpu.memory_space<vmem>>, vector<16xf32>,
        %mul3A_252 = arith.mulf %get3A_251, %div3A_58 : vector<16xf32>
        %add3A_253 = arith.constant 0x4B400000 : f32
        %add3A_254 = vector.broadcast %add3A_253 : f32 to vector<16xf32>
        %add3A_255 = arith.addf %mul3A_252, %add3A_254 : vector<16xf32>
        %sub3A_256 = arith.constant 0x4B400000 : f32
        %sub3A_257 = vector.broadcast %sub3A_256 : f32 to vector<16xf32>
        %sub3A_258 = arith.subf %add3A_255, %sub3A_257 : vector<16xf32>
        %add3A_259 = arith.addf %sub3A_258, %sub3A_67 : vector<16xf32>
        %jit3A_260 = arith.constant 0.000000e+00 : f32
        %jit3A_261 = arith.constant 2.550000e+02 : f32
        %max3A_262 = vector.broadcast %jit3A_260 : f32 to vector<16xf32>
        %max3A_263 = arith.maximumf %max3A_262, %add3A_259 : vector<16xf32>
        %min3A_264 = vector.broadcast %jit3A_261 : f32 to vector<16xf32>
        %min3A_265 = arith.minimumf %min3A_264, %max3A_263 : vector<16xf32>
        %sub3A_266 = arith.subf %min3A_265, %sub3A_67 : vector<16xf32>
        %mul3A_267 = arith.mulf %sub3A_266, %div3A_55 : vector<16xf32>
        %swap3A_268 = arith.index_cast %select_n3A_231 : i32 to index
        %swap3A_269 = arith.index_cast %select_n3A_247 : i32 to index
        %swap3A_270 = arith.index_cast %mul3A_42 : i32 to index
        %swap3A_271 = tpu.vector_load %arg4[%swap3A_268, %swap3A_269, %swap3A_270] {strides = array<i32>} : memref<12x64x128xf32, #tpu.memory_space<vmem>>, vector<16xf32>,
        tpu.vector_store %arg4[%swap3A_268, %swap3A_269, %swap3A_270], %mul3A_267 {strides = array<i32>} : memref<12x64x128xf32, #tpu.memory_space<vmem>>, vector<16xf32>,
        %scan3A_272 = arith.constant 0 : i32
        %scan3A_273 = arith.constant 3 : i32
        %scan3A_274 = arith.addi %scan3A_76, %scan3A_273 : i32
        %jit3A_275 = arith.constant 64 : i32
        %div3A_276 = arith.divsi %scan3A_274, %jit3A_275 : i32
        %sign3A_277 = arith.constant 0 : i32
        %sign3A_278 = arith.cmpi sgt, %scan3A_274, %sign3A_277 : i32
        %sign3A_279 = arith.extui %sign3A_278 : i1 to i32
        %sign3A_280 = arith.constant 0 : i32
        %sign3A_281 = arith.cmpi slt, %scan3A_274, %sign3A_280 : i32
        %sign3A_282 = arith.extui %sign3A_281 : i1 to i32
        %sign3A_283 = arith.subi %sign3A_279, %sign3A_282 : i32
        %sign3A_284 = arith.constant 0 : i32
        %sign3A_285 = arith.cmpi sgt, %jit3A_275, %sign3A_284 : i32
        %sign3A_286 = arith.extui %sign3A_285 : i1 to i32
        %sign3A_287 = arith.constant 0 : i32
        %sign3A_288 = arith.cmpi slt, %jit3A_275, %sign3A_287 : i32
        %sign3A_289 = arith.extui %sign3A_288 : i1 to i32
        %sign3A_290 = arith.subi %sign3A_286, %sign3A_289 : i32
        %ne3A_291 = arith.cmpi ne, %sign3A_283, %sign3A_290 : i32
        %rem3A_292 = arith.remsi %scan3A_274, %jit3A_275 : i32
        %ne3A_293 = arith.constant 0 : i32
        %ne3A_294 = arith.cmpi ne, %rem3A_292, %ne3A_293 : i32
        %and3A_295 = arith.andi %ne3A_291, %ne3A_294 : i1
        %sub3A_296 = arith.constant 1 : i32
        %sub3A_297 = arith.subi %div3A_276, %sub3A_296 : i32
        %select_n3A_298 = arith.select %and3A_295, %sub3A_297, %div3A_276 : i32
        %jit3A_299 = arith.constant 64 : i32
        %eq3A_300 = arith.constant 0 : i32
        %eq3A_301 = arith.cmpi eq, %jit3A_299, %eq3A_300 : i32
        %jit3A_302 = arith.constant 1 : i32
        %select_n3A_303 = arith.select %eq3A_301, %jit3A_302, %jit3A_299 : i32
        %rem3A_304 = arith.remsi %scan3A_274, %select_n3A_303 : i32
        %ne3A_305 = arith.constant 0 : i32
        %ne3A_306 = arith.cmpi ne, %rem3A_304, %ne3A_305 : i32
        %lt3A_307 = arith.constant 0 : i32
        %lt3A_308 = arith.cmpi slt, %rem3A_304, %lt3A_307 : i32
        %lt3A_309 = arith.constant 0 : i32
        %lt3A_310 = arith.cmpi slt, %select_n3A_303, %lt3A_309 : i32
        %ne3A_311 = arith.xori %lt3A_308, %lt3A_310 : i1
        %and3A_312 = arith.andi %ne3A_311, %ne3A_306 : i1
        %add3A_313 = arith.addi %rem3A_304, %select_n3A_303 : i32
        %select_n3A_314 = arith.select %and3A_312, %add3A_313, %rem3A_304 : i32
        %get3A_315 = arith.index_cast %select_n3A_298 : i32 to index
        %get3A_316 = arith.index_cast %select_n3A_314 : i32 to index
        %get3A_317 = arith.index_cast %mul3A_42 : i32 to index
        %get3A_318 = tpu.vector_load %arg4[%get3A_315, %get3A_316, %get3A_317] {strides = array<i32>} : memref<12x64x128xf32, #tpu.memory_space<vmem>>, vector<16xf32>,
        %mul3A_319 = arith.mulf %get3A_318, %div3A_58 : vector<16xf32>
        %add3A_320 = arith.constant 0x4B400000 : f32
        %add3A_321 = vector.broadcast %add3A_320 : f32 to vector<16xf32>
        %add3A_322 = arith.addf %mul3A_319, %add3A_321 : vector<16xf32>
        %sub3A_323 = arith.constant 0x4B400000 : f32
        %sub3A_324 = vector.broadcast %sub3A_323 : f32 to vector<16xf32>
        %sub3A_325 = arith.subf %add3A_322, %sub3A_324 : vector<16xf32>
        %add3A_326 = arith.addf %sub3A_325, %sub3A_67 : vector<16xf32>
        %jit3A_327 = arith.constant 0.000000e+00 : f32
        %jit3A_328 = arith.constant 2.550000e+02 : f32
        %max3A_329 = vector.broadcast %jit3A_327 : f32 to vector<16xf32>
        %max3A_330 = arith.maximumf %max3A_329, %add3A_326 : vector<16xf32>
        %min3A_331 = vector.broadcast %jit3A_328 : f32 to vector<16xf32>
        %min3A_332 = arith.minimumf %min3A_331, %max3A_330 : vector<16xf32>
        %sub3A_333 = arith.subf %min3A_332, %sub3A_67 : vector<16xf32>
        %mul3A_334 = arith.mulf %sub3A_333, %div3A_55 : vector<16xf32>
        %swap3A_335 = arith.index_cast %select_n3A_298 : i32 to index
        %swap3A_336 = arith.index_cast %select_n3A_314 : i32 to index
        %swap3A_337 = arith.index_cast %mul3A_42 : i32 to index
        %swap3A_338 = tpu.vector_load %arg4[%swap3A_335, %swap3A_336, %swap3A_337] {strides = array<i32>} : memref<12x64x128xf32, #tpu.memory_space<vmem>>, vector<16xf32>,
        tpu.vector_store %arg4[%swap3A_335, %swap3A_336, %swap3A_337], %mul3A_334 {strides = array<i32>} : memref<12x64x128xf32, #tpu.memory_space<vmem>>, vector<16xf32>,
        %scan3A_339 = arith.constant 0 : i32
        %scan3A_340 = arith.constant 4 : i32
        %scan3A_341 = arith.addi %scan3A_76, %scan3A_340 : i32
        %jit3A_342 = arith.constant 64 : i32
        %div3A_343 = arith.divsi %scan3A_341, %jit3A_342 : i32
        %sign3A_344 = arith.constant 0 : i32
        %sign3A_345 = arith.cmpi sgt, %scan3A_341, %sign3A_344 : i32
        %sign3A_346 = arith.extui %sign3A_345 : i1 to i32
        %sign3A_347 = arith.constant 0 : i32
        %sign3A_348 = arith.cmpi slt, %scan3A_341, %sign3A_347 : i32
        %sign3A_349 = arith.extui %sign3A_348 : i1 to i32
        %sign3A_350 = arith.subi %sign3A_346, %sign3A_349 : i32
        %sign3A_351 = arith.constant 0 : i32
        %sign3A_352 = arith.cmpi sgt, %jit3A_342, %sign3A_351 : i32
        %sign3A_353 = arith.extui %sign3A_352 : i1 to i32
        %sign3A_354 = arith.constant 0 : i32
        %sign3A_355 = arith.cmpi slt, %jit3A_342, %sign3A_354 : i32
        %sign3A_356 = arith.extui %sign3A_355 : i1 to i32
        %sign3A_357 = arith.subi %sign3A_353, %sign3A_356 : i32
        %ne3A_358 = arith.cmpi ne, %sign3A_350, %sign3A_357 : i32
        %rem3A_359 = arith.remsi %scan3A_341, %jit3A_342 : i32
        %ne3A_360 = arith.constant 0 : i32
        %ne3A_361 = arith.cmpi ne, %rem3A_359, %ne3A_360 : i32
        %and3A_362 = arith.andi %ne3A_358, %ne3A_361 : i1
        %sub3A_363 = arith.constant 1 : i32
        %sub3A_364 = arith.subi %div3A_343, %sub3A_363 : i32
        %select_n3A_365 = arith.select %and3A_362, %sub3A_364, %div3A_343 : i32
        %jit3A_366 = arith.constant 64 : i32
        %eq3A_367 = arith.constant 0 : i32
        %eq3A_368 = arith.cmpi eq, %jit3A_366, %eq3A_367 : i32
        %jit3A_369 = arith.constant 1 : i32
        %select_n3A_370 = arith.select %eq3A_368, %jit3A_369, %jit3A_366 : i32
        %rem3A_371 = arith.remsi %scan3A_341, %select_n3A_370 : i32
        %ne3A_372 = arith.constant 0 : i32
        %ne3A_373 = arith.cmpi ne, %rem3A_371, %ne3A_372 : i32
        %lt3A_374 = arith.constant 0 : i32
        %lt3A_375 = arith.cmpi slt, %rem3A_371, %lt3A_374 : i32
        %lt3A_376 = arith.constant 0 : i32
        %lt3A_377 = arith.cmpi slt, %select_n3A_370, %lt3A_376 : i32
        %ne3A_378 = arith.xori %lt3A_375, %lt3A_377 : i1
        %and3A_379 = arith.andi %ne3A_378, %ne3A_373 : i1
        %add3A_380 = arith.addi %rem3A_371, %select_n3A_370 : i32
        %select_n3A_381 = arith.select %and3A_379, %add3A_380, %rem3A_371 : i32
        %get3A_382 = arith.index_cast %select_n3A_365 : i32 to index
        %get3A_383 = arith.index_cast %select_n3A_381 : i32 to index
        %get3A_384 = arith.index_cast %mul3A_42 : i32 to index
        %get3A_385 = tpu.vector_load %arg4[%get3A_382, %get3A_383, %get3A_384] {strides = array<i32>} : memref<12x64x128xf32, #tpu.memory_space<vmem>>, vector<16xf32>,
        %mul3A_386 = arith.mulf %get3A_385, %div3A_58 : vector<16xf32>
        %add3A_387 = arith.constant 0x4B400000 : f32
        %add3A_388 = vector.broadcast %add3A_387 : f32 to vector<16xf32>
        %add3A_389 = arith.addf %mul3A_386, %add3A_388 : vector<16xf32>
        %sub3A_390 = arith.constant 0x4B400000 : f32
        %sub3A_391 = vector.broadcast %sub3A_390 : f32 to vector<16xf32>
        %sub3A_392 = arith.subf %add3A_389, %sub3A_391 : vector<16xf32>
        %add3A_393 = arith.addf %sub3A_392, %sub3A_67 : vector<16xf32>
        %jit3A_394 = arith.constant 0.000000e+00 : f32
        %jit3A_395 = arith.constant 2.550000e+02 : f32
        %max3A_396 = vector.broadcast %jit3A_394 : f32 to vector<16xf32>
        %max3A_397 = arith.maximumf %max3A_396, %add3A_393 : vector<16xf32>
        %min3A_398 = vector.broadcast %jit3A_395 : f32 to vector<16xf32>
        %min3A_399 = arith.minimumf %min3A_398, %max3A_397 : vector<16xf32>
        %sub3A_400 = arith.subf %min3A_399, %sub3A_67 : vector<16xf32>
        %mul3A_401 = arith.mulf %sub3A_400, %div3A_55 : vector<16xf32>
        %swap3A_402 = arith.index_cast %select_n3A_365 : i32 to index
        %swap3A_403 = arith.index_cast %select_n3A_381 : i32 to index
        %swap3A_404 = arith.index_cast %mul3A_42 : i32 to index
        %swap3A_405 = tpu.vector_load %arg4[%swap3A_402, %swap3A_403, %swap3A_404] {strides = array<i32>} : memref<12x64x128xf32, #tpu.memory_space<vmem>>, vector<16xf32>,
        tpu.vector_store %arg4[%swap3A_402, %swap3A_403, %swap3A_404], %mul3A_401 {strides = array<i32>} : memref<12x64x128xf32, #tpu.memory_space<vmem>>, vector<16xf32>,
        %scan3A_406 = arith.constant 0 : i32
        %scan3A_407 = arith.constant 5 : i32
        %scan3A_408 = arith.addi %scan3A_76, %scan3A_407 : i32
        %jit3A_409 = arith.constant 64 : i32
        %div3A_410 = arith.divsi %scan3A_408, %jit3A_409 : i32
        %sign3A_411 = arith.constant 0 : i32
        %sign3A_412 = arith.cmpi sgt, %scan3A_408, %sign3A_411 : i32
        %sign3A_413 = arith.extui %sign3A_412 : i1 to i32
        %sign3A_414 = arith.constant 0 : i32
        %sign3A_415 = arith.cmpi slt, %scan3A_408, %sign3A_414 : i32
        %sign3A_416 = arith.extui %sign3A_415 : i1 to i32
        %sign3A_417 = arith.subi %sign3A_413, %sign3A_416 : i32
        %sign3A_418 = arith.constant 0 : i32
        %sign3A_419 = arith.cmpi sgt, %jit3A_409, %sign3A_418 : i32
        %sign3A_420 = arith.extui %sign3A_419 : i1 to i32
        %sign3A_421 = arith.constant 0 : i32
        %sign3A_422 = arith.cmpi slt, %jit3A_409, %sign3A_421 : i32
        %sign3A_423 = arith.extui %sign3A_422 : i1 to i32
        %sign3A_424 = arith.subi %sign3A_420, %sign3A_423 : i32
        %ne3A_425 = arith.cmpi ne, %sign3A_417, %sign3A_424 : i32
        %rem3A_426 = arith.remsi %scan3A_408, %jit3A_409 : i32
        %ne3A_427 = arith.constant 0 : i32
        %ne3A_428 = arith.cmpi ne, %rem3A_426, %ne3A_427 : i32
        %and3A_429 = arith.andi %ne3A_425, %ne3A_428 : i1
        %sub3A_430 = arith.constant 1 : i32
        %sub3A_431 = arith.subi %div3A_410, %sub3A_430 : i32
        %select_n3A_432 = arith.select %and3A_429, %sub3A_431, %div3A_410 : i32
        %jit3A_433 = arith.constant 64 : i32
        %eq3A_434 = arith.constant 0 : i32
        %eq3A_435 = arith.cmpi eq, %jit3A_433, %eq3A_434 : i32
        %jit3A_436 = arith.constant 1 : i32
        %select_n3A_437 = arith.select %eq3A_435, %jit3A_436, %jit3A_433 : i32
        %rem3A_438 = arith.remsi %scan3A_408, %select_n3A_437 : i32
        %ne3A_439 = arith.constant 0 : i32
        %ne3A_440 = arith.cmpi ne, %rem3A_438, %ne3A_439 : i32
        %lt3A_441 = arith.constant 0 : i32
        %lt3A_442 = arith.cmpi slt, %rem3A_438, %lt3A_441 : i32
        %lt3A_443 = arith.constant 0 : i32
        %lt3A_444 = arith.cmpi slt, %select_n3A_437, %lt3A_443 : i32
        %ne3A_445 = arith.xori %lt3A_442, %lt3A_444 : i1
        %and3A_446 = arith.andi %ne3A_445, %ne3A_440 : i1
        %add3A_447 = arith.addi %rem3A_438, %select_n3A_437 : i32
        %select_n3A_448 = arith.select %and3A_446, %add3A_447, %rem3A_438 : i32
        %get3A_449 = arith.index_cast %select_n3A_432 : i32 to index
        %get3A_450 = arith.index_cast %select_n3A_448 : i32 to index
        %get3A_451 = arith.index_cast %mul3A_42 : i32 to index
        %get3A_452 = tpu.vector_load %arg4[%get3A_449, %get3A_450, %get3A_451] {strides = array<i32>} : memref<12x64x128xf32, #tpu.memory_space<vmem>>, vector<16xf32>,
        %mul3A_453 = arith.mulf %get3A_452, %div3A_58 : vector<16xf32>
        %add3A_454 = arith.constant 0x4B400000 : f32
        %add3A_455 = vector.broadcast %add3A_454 : f32 to vector<16xf32>
        %add3A_456 = arith.addf %mul3A_453, %add3A_455 : vector<16xf32>
        %sub3A_457 = arith.constant 0x4B400000 : f32
        %sub3A_458 = vector.broadcast %sub3A_457 : f32 to vector<16xf32>
        %sub3A_459 = arith.subf %add3A_456, %sub3A_458 : vector<16xf32>
        %add3A_460 = arith.addf %sub3A_459, %sub3A_67 : vector<16xf32>
        %jit3A_461 = arith.constant 0.000000e+00 : f32
        %jit3A_462 = arith.constant 2.550000e+02 : f32
        %max3A_463 = vector.broadcast %jit3A_461 : f32 to vector<16xf32>
        %max3A_464 = arith.maximumf %max3A_463, %add3A_460 : vector<16xf32>
        %min3A_465 = vector.broadcast %jit3A_462 : f32 to vector<16xf32>
        %min3A_466 = arith.minimumf %min3A_465, %max3A_464 : vector<16xf32>
        %sub3A_467 = arith.subf %min3A_466, %sub3A_67 : vector<16xf32>
        %mul3A_468 = arith.mulf %sub3A_467, %div3A_55 : vector<16xf32>
        %swap3A_469 = arith.index_cast %select_n3A_432 : i32 to index
        %swap3A_470 = arith.index_cast %select_n3A_448 : i32 to index
        %swap3A_471 = arith.index_cast %mul3A_42 : i32 to index
        %swap3A_472 = tpu.vector_load %arg4[%swap3A_469, %swap3A_470, %swap3A_471] {strides = array<i32>} : memref<12x64x128xf32, #tpu.memory_space<vmem>>, vector<16xf32>,
        tpu.vector_store %arg4[%swap3A_469, %swap3A_470, %swap3A_471], %mul3A_468 {strides = array<i32>} : memref<12x64x128xf32, #tpu.memory_space<vmem>>, vector<16xf32>,
        %scan3A_473 = arith.constant 0 : i32
        %scan3A_474 = arith.constant 6 : i32
        %scan3A_475 = arith.addi %scan3A_76, %scan3A_474 : i32
        %jit3A_476 = arith.constant 64 : i32
        %div3A_477 = arith.divsi %scan3A_475, %jit3A_476 : i32
        %sign3A_478 = arith.constant 0 : i32
        %sign3A_479 = arith.cmpi sgt, %scan3A_475, %sign3A_478 : i32
        %sign3A_480 = arith.extui %sign3A_479 : i1 to i32
        %sign3A_481 = arith.constant 0 : i32
        %sign3A_482 = arith.cmpi slt, %scan3A_475, %sign3A_481 : i32
        %sign3A_483 = arith.extui %sign3A_482 : i1 to i32
        %sign3A_484 = arith.subi %sign3A_480, %sign3A_483 : i32
        %sign3A_485 = arith.constant 0 : i32
        %sign3A_486 = arith.cmpi sgt, %jit3A_476, %sign3A_485 : i32
        %sign3A_487 = arith.extui %sign3A_486 : i1 to i32
        %sign3A_488 = arith.constant 0 : i32
        %sign3A_489 = arith.cmpi slt, %jit3A_476, %sign3A_488 : i32
        %sign3A_490 = arith.extui %sign3A_489 : i1 to i32
        %sign3A_491 = arith.subi %sign3A_487, %sign3A_490 : i32
        %ne3A_492 = arith.cmpi ne, %sign3A_484, %sign3A_491 : i32
        %rem3A_493 = arith.remsi %scan3A_475, %jit3A_476 : i32
        %ne3A_494 = arith.constant 0 : i32
        %ne3A_495 = arith.cmpi ne, %rem3A_493, %ne3A_494 : i32
        %and3A_496 = arith.andi %ne3A_492, %ne3A_495 : i1
        %sub3A_497 = arith.constant 1 : i32
        %sub3A_498 = arith.subi %div3A_477, %sub3A_497 : i32
        %select_n3A_499 = arith.select %and3A_496, %sub3A_498, %div3A_477 : i32
        %jit3A_500 = arith.constant 64 : i32
        %eq3A_501 = arith.constant 0 : i32
        %eq3A_502 = arith.cmpi eq, %jit3A_500, %eq3A_501 : i32
        %jit3A_503 = arith.constant 1 : i32
        %select_n3A_504 = arith.select %eq3A_502, %jit3A_503, %jit3A_500 : i32
        %rem3A_505 = arith.remsi %scan3A_475, %select_n3A_504 : i32
        %ne3A_506 = arith.constant 0 : i32
        %ne3A_507 = arith.cmpi ne, %rem3A_505, %ne3A_506 : i32
        %lt3A_508 = arith.constant 0 : i32
        %lt3A_509 = arith.cmpi slt, %rem3A_505, %lt3A_508 : i32
        %lt3A_510 = arith.constant 0 : i32
        %lt3A_511 = arith.cmpi slt, %select_n3A_504, %lt3A_510 : i32
        %ne3A_512 = arith.xori %lt3A_509, %lt3A_511 : i1
        %and3A_513 = arith.andi %ne3A_512, %ne3A_507 : i1
        %add3A_514 = arith.addi %rem3A_505, %select_n3A_504 : i32
        %select_n3A_515 = arith.select %and3A_513, %add3A_514, %rem3A_505 : i32
        %get3A_516 = arith.index_cast %select_n3A_499 : i32 to index
        %get3A_517 = arith.index_cast %select_n3A_515 : i32 to index
        %get3A_518 = arith.index_cast %mul3A_42 : i32 to index
        %get3A_519 = tpu.vector_load %arg4[%get3A_516, %get3A_517, %get3A_518] {strides = array<i32>} : memref<12x64x128xf32, #tpu.memory_space<vmem>>, vector<16xf32>,
        %mul3A_520 = arith.mulf %get3A_519, %div3A_58 : vector<16xf32>
        %add3A_521 = arith.constant 0x4B400000 : f32
        %add3A_522 = vector.broadcast %add3A_521 : f32 to vector<16xf32>
        %add3A_523 = arith.addf %mul3A_520, %add3A_522 : vector<16xf32>
        %sub3A_524 = arith.constant 0x4B400000 : f32
        %sub3A_525 = vector.broadcast %sub3A_524 : f32 to vector<16xf32>
        %sub3A_526 = arith.subf %add3A_523, %sub3A_525 : vector<16xf32>
        %add3A_527 = arith.addf %sub3A_526, %sub3A_67 : vector<16xf32>
        %jit3A_528 = arith.constant 0.000000e+00 : f32
        %jit3A_529 = arith.constant 2.550000e+02 : f32
        %max3A_530 = vector.broadcast %jit3A_528 : f32 to vector<16xf32>
        %max3A_531 = arith.maximumf %max3A_530, %add3A_527 : vector<16xf32>
        %min3A_532 = vector.broadcast %jit3A_529 : f32 to vector<16xf32>
        %min3A_533 = arith.minimumf %min3A_532, %max3A_531 : vector<16xf32>
        %sub3A_534 = arith.subf %min3A_533, %sub3A_67 : vector<16xf32>
        %mul3A_535 = arith.mulf %sub3A_534, %div3A_55 : vector<16xf32>
        %swap3A_536 = arith.index_cast %select_n3A_499 : i32 to index
        %swap3A_537 = arith.index_cast %select_n3A_515 : i32 to index
        %swap3A_538 = arith.index_cast %mul3A_42 : i32 to index
        %swap3A_539 = tpu.vector_load %arg4[%swap3A_536, %swap3A_537, %swap3A_538] {strides = array<i32>} : memref<12x64x128xf32, #tpu.memory_space<vmem>>, vector<16xf32>,
        tpu.vector_store %arg4[%swap3A_536, %swap3A_537, %swap3A_538], %mul3A_535 {strides = array<i32>} : memref<12x64x128xf32, #tpu.memory_space<vmem>>, vector<16xf32>,
        %scan3A_540 = arith.constant 0 : i32
        %scan3A_541 = arith.constant 7 : i32
        %scan3A_542 = arith.addi %scan3A_76, %scan3A_541 : i32
        %jit3A_543 = arith.constant 64 : i32
        %div3A_544 = arith.divsi %scan3A_542, %jit3A_543 : i32
        %sign3A_545 = arith.constant 0 : i32
        %sign3A_546 = arith.cmpi sgt, %scan3A_542, %sign3A_545 : i32
        %sign3A_547 = arith.extui %sign3A_546 : i1 to i32
        %sign3A_548 = arith.constant 0 : i32
        %sign3A_549 = arith.cmpi slt, %scan3A_542, %sign3A_548 : i32
        %sign3A_550 = arith.extui %sign3A_549 : i1 to i32
        %sign3A_551 = arith.subi %sign3A_547, %sign3A_550 : i32
        %sign3A_552 = arith.constant 0 : i32
        %sign3A_553 = arith.cmpi sgt, %jit3A_543, %sign3A_552 : i32
        %sign3A_554 = arith.extui %sign3A_553 : i1 to i32
        %sign3A_555 = arith.constant 0 : i32
        %sign3A_556 = arith.cmpi slt, %jit3A_543, %sign3A_555 : i32
        %sign3A_557 = arith.extui %sign3A_556 : i1 to i32
        %sign3A_558 = arith.subi %sign3A_554, %sign3A_557 : i32
        %ne3A_559 = arith.cmpi ne, %sign3A_551, %sign3A_558 : i32
        %rem3A_560 = arith.remsi %scan3A_542, %jit3A_543 : i32
        %ne3A_561 = arith.constant 0 : i32
        %ne3A_562 = arith.cmpi ne, %rem3A_560, %ne3A_561 : i32
        %and3A_563 = arith.andi %ne3A_559, %ne3A_562 : i1
        %sub3A_564 = arith.constant 1 : i32
        %sub3A_565 = arith.subi %div3A_544, %sub3A_564 : i32
        %select_n3A_566 = arith.select %and3A_563, %sub3A_565, %div3A_544 : i32
        %jit3A_567 = arith.constant 64 : i32
        %eq3A_568 = arith.constant 0 : i32
        %eq3A_569 = arith.cmpi eq, %jit3A_567, %eq3A_568 : i32
        %jit3A_570 = arith.constant 1 : i32
        %select_n3A_571 = arith.select %eq3A_569, %jit3A_570, %jit3A_567 : i32
        %rem3A_572 = arith.remsi %scan3A_542, %select_n3A_571 : i32
        %ne3A_573 = arith.constant 0 : i32
        %ne3A_574 = arith.cmpi ne, %rem3A_572, %ne3A_573 : i32
        %lt3A_575 = arith.constant 0 : i32
        %lt3A_576 = arith.cmpi slt, %rem3A_572, %lt3A_575 : i32
        %lt3A_577 = arith.constant 0 : i32
        %lt3A_578 = arith.cmpi slt, %select_n3A_571, %lt3A_577 : i32
        %ne3A_579 = arith.xori %lt3A_576, %lt3A_578 : i1
        %and3A_580 = arith.andi %ne3A_579, %ne3A_574 : i1
        %add3A_581 = arith.addi %rem3A_572, %select_n3A_571 : i32
        %select_n3A_582 = arith.select %and3A_580, %add3A_581, %rem3A_572 : i32
        %get3A_583 = arith.index_cast %select_n3A_566 : i32 to index
        %get3A_584 = arith.index_cast %select_n3A_582 : i32 to index
        %get3A_585 = arith.index_cast %mul3A_42 : i32 to index
        %get3A_586 = tpu.vector_load %arg4[%get3A_583, %get3A_584, %get3A_585] {strides = array<i32>} : memref<12x64x128xf32, #tpu.memory_space<vmem>>, vector<16xf32>,
        %mul3A_587 = arith.mulf %get3A_586, %div3A_58 : vector<16xf32>
        %add3A_588 = arith.constant 0x4B400000 : f32
        %add3A_589 = vector.broadcast %add3A_588 : f32 to vector<16xf32>
        %add3A_590 = arith.addf %mul3A_587, %add3A_589 : vector<16xf32>
        %sub3A_591 = arith.constant 0x4B400000 : f32
        %sub3A_592 = vector.broadcast %sub3A_591 : f32 to vector<16xf32>
        %sub3A_593 = arith.subf %add3A_590, %sub3A_592 : vector<16xf32>
        %add3A_594 = arith.addf %sub3A_593, %sub3A_67 : vector<16xf32>
        %jit3A_595 = arith.constant 0.000000e+00 : f32
        %jit3A_596 = arith.constant 2.550000e+02 : f32
        %max3A_597 = vector.broadcast %jit3A_595 : f32 to vector<16xf32>
        %max3A_598 = arith.maximumf %max3A_597, %add3A_594 : vector<16xf32>
        %min3A_599 = vector.broadcast %jit3A_596 : f32 to vector<16xf32>
        %min3A_600 = arith.minimumf %min3A_599, %max3A_598 : vector<16xf32>
        %sub3A_601 = arith.subf %min3A_600, %sub3A_67 : vector<16xf32>
        %mul3A_602 = arith.mulf %sub3A_601, %div3A_55 : vector<16xf32>
        %swap3A_603 = arith.index_cast %select_n3A_566 : i32 to index
        %swap3A_604 = arith.index_cast %select_n3A_582 : i32 to index
        %swap3A_605 = arith.index_cast %mul3A_42 : i32 to index
        %swap3A_606 = tpu.vector_load %arg4[%swap3A_603, %swap3A_604, %swap3A_605] {strides = array<i32>} : memref<12x64x128xf32, #tpu.memory_space<vmem>>, vector<16xf32>,
        tpu.vector_store %arg4[%swap3A_603, %swap3A_604, %swap3A_605], %mul3A_602 {strides = array<i32>} : memref<12x64x128xf32, #tpu.memory_space<vmem>>, vector<16xf32>,
        %scan3A_607 = arith.constant 0 : i32
        scf.yield %scan3A_607 : i32
      }
      %scan3A_74 = arith.constant 768 : i32
      %scan3A_75 = arith.constant 0 : i32
      scf.yield %scan3A_75 : i32
    }
    %scan3A_38 = arith.constant 8 : i32
    "tpu.region"() ({
      %run_scoped3A = tpu.sem_alloc : memref<!tpu.dma_semaphore, #tpu.memory_space<semaphore_mem>>
      %dma_start3A = arith.constant 0 : i32
      %dma_start3A_39 = arith.constant 0 : i32
      %dma_start3A_40 = tpu.memref_slice %arg3[%select_n3A, %dma_start3A, %dma_start3A_39, %mul3A_32] : memref<2x12x64x2048xf32, #tpu.memory_space<hbm>> -> memref<1x12x64x128xf32, #tpu.memory_space<hbm>>
      %dma_start3A_41 = tpu.memref_squeeze %dma_start3A_40 : memref<1x12x64x128xf32, #tpu.memory_space<hbm>> -> memref<12x64x128xf32, #tpu.memory_space<hbm>>
      %dma_start3A_42 = arith.constant 0 : i32
      %dma_start3A_43 = arith.constant 0 : i32
      %dma_start3A_44 = tpu.memref_slice %arg3[%select_n3A, %dma_start3A_42, %dma_start3A_43, %mul3A_32] : memref<2x12x64x2048xf32, #tpu.memory_space<hbm>> -> memref<1x12x64x128xf32, #tpu.memory_space<hbm>>
      %dma_start3A_45 = tpu.memref_squeeze %dma_start3A_44 : memref<1x12x64x128xf32, #tpu.memory_space<hbm>> -> memref<12x64x128xf32, #tpu.memory_space<hbm>>
      tpu.enqueue_dma source(%arg4 : memref<12x64x128xf32, #tpu.memory_space<vmem>>) target(%dma_start3A_45 : memref<12x64x128xf32, #tpu.memory_space<hbm>>) target_semaphore(%run_scoped3A : memref<!tpu.dma_semaphore, #tpu.memory_space<semaphore_mem>>)
      %dma_wait3A = arith.constant 0 : i32
      %dma_wait3A_46 = arith.constant 0 : i32
      %dma_wait3A_47 = tpu.memref_slice %arg3[%select_n3A, %dma_wait3A, %dma_wait3A_46, %mul3A_32] : memref<2x12x64x2048xf32, #tpu.memory_space<hbm>> -> memref<1x12x64x128xf32, #tpu.memory_space<hbm>>
      %dma_wait3A_48 = tpu.memref_squeeze %dma_wait3A_47 : memref<1x12x64x128xf32, #tpu.memory_space<hbm>> -> memref<12x64x128xf32, #tpu.memory_space<hbm>>
      %dma_wait3A_49 = arith.constant 0 : i32
      %dma_wait3A_50 = arith.constant 0 : i32
      %dma_wait3A_51 = tpu.memref_slice %arg3[%select_n3A, %dma_wait3A_49, %dma_wait3A_50, %mul3A_32] : memref<2x12x64x2048xf32, #tpu.memory_space<hbm>> -> memref<1x12x64x128xf32, #tpu.memory_space<hbm>>
      %dma_wait3A_52 = tpu.memref_squeeze %dma_wait3A_51 : memref<1x12x64x128xf32, #tpu.memory_space<hbm>> -> memref<12x64x128xf32, #tpu.memory_space<hbm>>
      tpu.wait_dma2 semaphore(%run_scoped3A : memref<!tpu.dma_semaphore, #tpu.memory_space<semaphore_mem>>) src(%arg4 : memref<12x64x128xf32, #tpu.memory_space<vmem>>) dst(%dma_wait3A_52 : memref<12x64x128xf32, #tpu.memory_space<hbm>>)
      tpu.yield
    }) : () -> ()
    return
  }
}

</mosaic_0001>

<sc_bundles>
// kernel: kernel.3.cloned.1.call-start
scs
__scs_entry_jumppad:
0x0: {  	(pc) =	sbr.rel $0x88, $3  }
0x1: {  	(tag) =	ssettag $0x0;
	lr =	simm.s32 $0x1  }
0x2: {  	[smem:$0x3FA0] =	sst lr;
	_ =	strace $0xD0000000  }
0x3: {  	_ = 	snop  }
0x4: {  	_ = 	snop  }
0x5: {  	_ = 	snop  }
0x6: {  	_ = 	snop  }
0x7: {  	_ = 	snop  }
__scs_overlays_trampoline_lowered:
0x8: {  	[smem:$0x3FAF] =	sst s0  }
0x9: {  	[smem:$0x3FB0] =	sst s1  }
0xa: {  	[smem:$0x3FB1] =	sst s2  }
0xb: {  	[smem:$0x3FB2] =	sst s3  }
0xc: {  	[smem:$0x3FB3] =	sst s4  }
0xd: {  	[smem:$0x3FB4] =	sst s5  }
0xe: {  	[smem:$0x3FB5] =	sst s6  }
0xf: {  	[smem:$0x3FB6] =	sst s7  }
0x10: {  	[smem:$0x3FB7] =	sst s8  }
0x11: {  	[smem:$0x3FB8] =	sst s9;
	s0 =	simm.s32 @!p0 $0x0  }
0x12: {  	s1 =	sld [smem:$0x3F9E];
	s0 =	simm.s32 @p0 $0x1  }
0x13: {  	[smem:$0x3FB9] =	sst s0;
	s0 =	simm.s32 @!p1 $0x0  }
0x14: {  	s2 =	sld [smem:$0x3F9D];
	s0 =	simm.s32 @p1 $0x1  }
0x15: {  	[smem:$0x3FBA] =	sst s0;
	s0 =	simm.s32 @!p2 $0x0  }
0x16: {  	s3 =	sld [smem:$0x3FDB];
	s0 =	simm.s32 @p2 $0x1  }
0x17: {  	s4 =	simm.s32 $0x1BF5;
	[smem:$0x3FBC] =	sst s0  }
0x18: {  	s0 =	sld [smem:$0x3F9F];
	_ =	swait.ge [sflag:s4], $0x0  }
0x19: {  	s7 =	sld [smem:$0x3FA0]  }
0x1a: {  	s8 =	sadd.s32 $0xFFFFE003, lr  }
0x1b: {  	s9 =	sadd.s32 $0xFFFFFEF7, lr;
	s5 =	simm.s32 $0xFFFFFFFF;
	p2 =	slt.u32 s8, $0xFFFFF086  }
0x1c: {  	p1 =	slt.u32 s9, $0xF7A;
	s5 =	simm.s32 @!p2 $0x0  }
0x1d: {  	s5 =	simm.s32 @p1 $0x1;
	p0 =	seq.s32 s7, s2  }
0x1e: {  	s7 =	smul.u32 @!p0 $0xF7A, s2;
	p2 =	seq.s32 @!p0 s5, $0x0  }
0x1f: {  	s9 =	smul.u32 $0xF7A, s1;
	s8 =	simm.s32 @!p0 $0x1BF5;
	p2 =	por !p2, p0  }
0x20: {  	[sflag:s8] =	ssyncset.s32 @!p0 $0xFFFFF086;
	s6 =	sadd.s32 @!p0 s3, s7;
	s7 =	simm.s32 @!p0 $0x108  }
0x21: {  	s3 =	sadd.s32 s3, s9;
	s6 =	sadd.s32 @!p0 $0x88, s6;
	s7 =	simm.s32 @p2 $0x1082  }
0x22: {  	[simem:s7], [sflag:s8] =	dma.local @!p0 [hbm:s6], $0xF7A  }
0x23: {  	s9 =	sor.u32 $0xD0000000, s2;
	s6 =	simm.s32 $0x108;
	_ =	swait.ge @!p0 [sflag:s8], $0x0  }
0x24: {  	s3 =	sadd.s32 $0x88, s3;
	s6 =	simm.s32 @!p1 $0x1082;
	[sflag:s4] =	ssyncset.s32 $0xFFFFF086  }
0x25: {  	[simem:s6], [sflag:s4] =	dma.local [hbm:s3], $0xF7A  }
0x26: {  	[smem:$0x3FA0] =	sst s1;
	(tag) =	ssettag s2;
	_ =	strace s9  }
0x27: {  	s1 =	sld [smem:$0x3FB0]  }
0x28: {  	s2 =	sld [smem:$0x3FB1]  }
0x29: {  	s4 =	sld [smem:$0x3FB3]  }
0x2a: {  	p0 =	seq.s32 s5, $0x0;
	s5 =	sld [smem:$0x3FB4]  }
0x2b: {  	s6 =	sld [smem:$0x3FB5]  }
0x2c: {  	s7 =	sld [smem:$0x3FB6]  }
0x2d: {  	s3 =	simm.s32 $0x108;
	s8 =	sld [smem:$0x3FB7]  }
0x2e: {  	s3 =	simm.s32 @!p0 $0x1082;
	s9 =	sld [smem:$0x3FB8]  }
0x2f: {  	lr =	sadd.s32 s0, s3;
	s0 =	sld [smem:$0x3FAF]  }
0x30: {  	s3 =	sld [smem:$0x3FB2]  }
0x31: {  	[smem:$0x3FBB] =	sst s10  }
0x32: {  	s10 =	sld [smem:$0x3FB9];
	_ =	sdelay $0x3  }
0x33: {  	p0 =	seq.s32 s10, $0x1;
	s10 =	sld [smem:$0x3FBB];
	_ =	sdelay $0x3  }
0x34: {  	[smem:$0x3FBB] =	sst s10  }
0x35: {  	s10 =	sld [smem:$0x3FBA];
	_ =	sdelay $0x3  }
0x36: {  	p1 =	seq.s32 s10, $0x1;
	s10 =	sld [smem:$0x3FBB];
	_ =	sdelay $0x3  }
0x37: {  	[smem:$0x3FBB] =	sst s10  }
0x38: {  	s10 =	sld [smem:$0x3FBC]  }
0x39: {  	_ = 	snop;
	(pc) =	sbr.ind lr, $3  }
0x3a: {  	_ = 	snop  }
0x3b: {  	_ = 	snop  }
0x3c: {  	p2 =	seq.s32 s10, $0x1;
	s10 =	sld [smem:$0x3FBB]  }
0x3d: {  	_ =	shalt  }
0x3e: {  	_ =	shalt  }
0x3f: {  	_ =	shalt  }
0x40: {  	_ =	shalt  }
0x41: {  	_ =	shalt  }
0x42: {  	_ =	shalt  }
0x43: {  	_ =	shalt  }
0x44: {  	_ =	shalt  }
0x45: {  	_ =	shalt  }
0x46: {  	_ =	shalt  }
0x47: {  	_ =	shalt  }
0x48: {  	_ =	shalt  }
0x49: {  	_ =	shalt  }
0x4a: {  	_ =	shalt  }
0x4b: {  	_ =	shalt  }
0x4c: {  	_ =	shalt  }
0x4d: {  	_ =	shalt  }
0x4e: {  	_ =	shalt  }
0x4f: {  	_ =	shalt  }
0x50: {  	_ =	shalt  }
0x51: {  	_ =	shalt  }
0x52: {  	_ =	shalt  }
0x53: {  	_ =	shalt  }
0x54: {  	_ =	shalt  }
0x55: {  	_ =	shalt  }
0x56: {  	_ =	shalt  }
0x57: {  	_ =	shalt  }
0x58: {  	_ =	shalt  }
0x59: {  	_ =	shalt  }
0x5a: {  	_ =	shalt  }
0x5b: {  	_ =	shalt  }
0x5c: {  	_ =	shalt  }
0x5d: {  	_ =	shalt  }
0x5e: {  	_ =	shalt  }
0x5f: {  	_ =	shalt  }
0x60: {  	_ =	shalt  }
0x61: {  	_ =	shalt  }
0x62: {  	_ =	shalt  }
0x63: {  	_ =	shalt  }
0x64: {  	_ =	shalt  }
0x65: {  	_ =	shalt  }
0x66: {  	_ =	shalt  }
0x67: {  	_ =	shalt  }
0x68: {  	_ =	shalt  }
0x69: {  	_ =	shalt  }
0x6a: {  	_ =	shalt  }
0x6b: {  	_ =	shalt  }
0x6c: {  	_ =	shalt  }
0x6d: {  	_ =	shalt  }
0x6e: {  	_ =	shalt  }
0x6f: {  	_ =	shalt  }
0x70: {  	_ =	shalt  }
0x71: {  	_ =	shalt  }
0x72: {  	_ =	shalt  }
0x73: {  	_ =	shalt  }
0x74: {  	_ =	shalt  }
0x75: {  	_ =	shalt  }
0x76: {  	_ =	shalt  }
0x77: {  	_ =	shalt  }
0x78: {  	_ =	shalt  }
0x79: {  	_ =	shalt  }
0x7a: {  	_ =	shalt  }
0x7b: {  	_ =	shalt  }
0x7c: {  	_ =	shalt  }
0x7d: {  	_ =	shalt  }
0x7e: {  	_ =	shalt  }
0x7f: {  	_ =	shalt  }
0x80: {  	_ =	shalt  }
0x81: {  	_ =	shalt  }
0x82: {  	_ =	shalt  }
0x83: {  	_ =	shalt  }
0x84: {  	_ =	shalt  }
0x85: {  	_ =	shalt  }
0x86: {  	_ =	shalt  }
0x87: {  	_ =	shalt  }
.Lfunc_end0:
.L_simem_size_0:
called_computation_lowered:
.L_overlay_start_0:
0x88: {  	s2 =	sld [smem:$0x3FD9]  }
0x89: {  	s3 =	sld [smem:$0x3FFE];
	_ =	sdelay $0x1  }
0x8a: {  	s1 =	srdreg.scid  }
0x8b: {  	s0 =	sand.u32 $0x1, s1  }
0x8c: {  	s18 =	sshll.u32 s0, $0xA;
	s2 =	sadd.s32 s3, s2  }
0x8d: {  	s2 =	sadd.s32 s2, s18  }
0x8e: {  	[smem:$0x3FC7] =	sst s2  }
0x8f: {  	_ = 	snop  }
0x90: {  	s2 =	sld [smem:$0x3FC9]  }
0x91: {  	s19 =	sld [smem:$0x3FD0];
	(tm) =	ssettm $0x1  }
0x92: {  	s4 =	sld [smem:$0x3FFB];
	_ =	sdelay $0x3  }
0x93: {  	_ =	strace s4  }
0x94: {  	s4 =	sld [smem:$0x3FFC];
	_ =	sdelay $0x3  }
0x95: {  	_ =	strace s4  }
0x96: {  	s4 =	sld [smem:$0x3FFD];
	_ =	sdelay $0x3  }
0x97: {  	_ =	strace s4  }
0x98: {  	_ =	strace $0x8FFFFFFF  }
0x99: {  	s20 =	sld [smem:$0x3FDB];
	_ =	sdelay $0x1  }
0x9a: {  	s5 =	simm.s32 $_scs_section_size  }
0x9b: {  	s6 =	simm.s32 $_size__tile_overlayer_lowered;
	s7 =	simm.s32 $_tile_overlayer_lowered  }
0x9c: {  	s23 =	simm.s32 $0x1BFF;
	s22 =	sshll.u32 s7, $0x1;
	s4 =	sadd.s32 s5, s20  }
0x9d: {  	s8 =	simm.s32 $0x0;
	s21 =	sshll.u32 s6, $0x1;
	s6 =	sadd.s32 s22, s4  }
0x9e: {  	[timem:s8], [sflag:s23] =	dma.local [hbm:s6], s21  }
0x9f: {  	_ =	swait.ge [sflag:s23], s21  }
0xa0: {  	s5 =	ssub.s32 $0x0, s21;
	[sflag:s23] =	ssyncset.done $0x0  }
0xa1: {  	[sflag:s23] =	ssyncadd.s32 s5;
	_ =	sdelay $0x1  }
0xa2: {  	s24 =	simm.s32 $0x1B8B  }
0xa3: {  	_ =	swait.ge [sflag:s24], $0x1  }
0xa4: {  	[sflag:s24] =	ssyncset.done $0x0  }
0xa5: {  	s25 =	simm.s32 $0x1B8E;
	[sflag:s24] =	ssyncadd.s32 $0xFFFFFFFF  }
0xa6: {  	s26 =	simm.s32 $execute0_lowered;
	[smem:$0x3FD2] =	sst s25  }
0xa7: {  	s5 =	sshll.u32 s26, $0x1;
	_ =	strace $0x80000046;
	[dreg:$0x1] =	wrdreg $0xFFFFFFFF  }
0xa8: {  	s28 =	simm.s32 $_size_execute0_lowered;
	s4 =	sadd.s32 s4, s5;
	[dreg:$0x0] =	wrdreg $0x0  }
0xa9: {  	s5 =	sshll.u32 s28, $0x1;
	[dreg:$0x2] =	wrdreg s4  }
0xaa: {  	[dreg:$0x3] =	wrdreg s5  }
0xab: {  	[dreg:$0x4] =	wrdreg $0xC0  }
0xac: {  	_ =	task [dreg:s8], $0x5FFFF  }
0xad: {  	[dreg:$0x1] =	wrdreg $0xFFFFFFFF  }
0xae: {  	[dreg:$0x0] =	wrdreg $0x60  }
0xaf: {  	[dreg:$0x2] =	wrdreg s2  }
0xb0: {  	[dreg:$0x3] =	wrdreg s19  }
0xb1: {  	[dreg:$0x4] =	wrdreg $0x9  }
0xb2: {  	_ =	task.clear_ibuf [dreg:s8], $0x5FFFF;
	_ =	strace $0x90000046  }
0xb3: {  	s29 =	simm.s32 $0x9;
	_ =	strace $0x80000048  }
0xb4: {  	_ =	swait.ge [sflag:s29], $0x1  }
0xb5: {  	[sflag:s29] =	ssyncadd.s32 $0xFFFFFFFF  }
0xb6: {  	_ =	strace $0x90000048  }
0xb7: {  	_ =	sfence  }
0xb8: {  	s30 =	sld [smem:$0x0];
	_ =	sdelay $0x2  }
0xb9: {  	s31 =	sshll.u32 s1, $0xD;
	s1 =	sshrl.u32 s1, $0x2  }
0xba: {  	s3 =	sand.u32 $0x4000, s31;
	s1 =	sadd.s32 s1, s30  }
0xbb: {  	s0 =	sor.u32 s3, s0;
	s1 =	sshll.u32 s1, $0x11  }
0xbc: {  	s0 =	sor.u32 s1, s0  }
0xbd: {  	s0 =	sadd.s32 $0x8F2B, s0  }
0xbe: {  	[sflag:s0] =	ssyncadd.remote.s32 $0x1  }
0xbf: {  	_ =	sfence.sel $0xFFFF  }
0xc0: {  	[dreg:$0x0] =	wrdreg $0xFFFFFFFF;
	(pc) =	sbr.abs _section_cstart, $3  }
0xc1: {  	[dreg:$0x1] =	wrdreg $0xFFFFFFFF  }
0xc2: {  	_ =	task.clear_ibuf [dreg:s8], $0x2FFFF;
	_ =	strace $0x9FFFFFFF  }
0xc3: {  	(tm) =	ssettm $0x7FFFFFFF  }
tec
execute0_lowered:
.L_overlay_start_1:
0x0: {  	(tag) =	ssettag $0x1  }
0x1: {  	s3 =	rddreg [dreg:$0x0]  }
0x2: {  	s4 =	rddreg [dreg:$0x1];
	s2 =	simm.s32 $0x0  }
0x3: {  	[smem:$0x7FF] =	sst s2  }
0x4: {  	s0 =	rddreg [dreg:$0x2];
	v0 =	vimm.f32 $2.550000000e+02;
	_ =	strace $0x80000047  }
0x5: {  	(erf) = vrcp.f32 v0;
	_ =	sdelay $0x1  }
0x6: {  	s1 =	stileid.u32  }
0x7: {  	s5 =	srdreg.scid;
	s6 =	sshll.u32 s1, $0x1  }
0x8: {  	s5 =	sand.u32 $0x1, s5;
	s7 =	sshrl.u32 s1, $0x3;
	s6 =	sand.u32 $0xE, s6  }
0x9: {  	s7 =	smul.u32 $0x180000, s7;
	s6 =	sor.u32 s5, s6;
	s5 =	ssub.s32 $0x2, s5  }
0xa: {  	s8 =	simm.s32 $0x1;
	s6 =	sshll.u32 s6, $0xA;
	s31 =	sshrl.u32 s5, $0x1  }
0xb: {  	s9 =	simm.s32 $0x0;
	s6 =	sor.u32 s7, s6;
	s5 =	ssub.s32 s5, s31  }
0xc: {  	s7 =	simm.s32 $0x4000;
	s6 =	sshrl.u32 s6, $0x3;
	s5 =	smax.u32 s5, $0x1  }
0xd: {  	s3 =	sadd.s32 s3, s6;
	s4 =	sadd.s32 s4, s6;
	s6 =	simm.s32 $0x400;
	v0 =	vpop (erf)  }
.LBB2_1:
0xe: {  	[tilespmem:s2], [sflag:$0x1] =	stream.strided.gather [hbm4b:s3+s6], $0x18000, s7, s6, $0x38;
	[tilespmem:$0x18000] =	vst v63  }
0xf: {  	_ =	swait.ge [sflag:s8], $0x18000  }
0x10: {  	[sflag:s8] =	ssyncset.done $0x0  }
0x11: {  	s10 =	simm.s32 $0x0;
	[sflag:s8] =	ssyncadd.s32 $0xFFFE8000  }
.LBB2_2:
0x12: {  	s11 =	sshll.u32 s10, $0x4  }
0x13: {  	v1 =	vmov s11  }
0x14: {  	s30 =	simm.s32 $0x0  }
0x15: {  	s12 =	sand.u32 $0x78000, s30  }
0x16: {  	s11 =	sand.u32 $0x1C00, s30;
	s12 =	sshrl.u32 s12, $0x2  }
0x17: {  	s13 =	sor.u32 s11, s12  }
0x18: {  	v2 =	vld.idx.msk [tilespmem:v1+s13+$0x0 ss:$0x1], $0xffff  }
0x19: {  	v3 =	vld.idx.msk [tilespmem:v1+s13+$0x80 ss:$0x1], $0xffff  }
0x1a: {  	v5 =	vld.idx.msk [tilespmem:v1+s13+$0x100 ss:$0x1], $0xffff  }
0x1b: {  	v6 =	vld.idx.msk [tilespmem:v1+s13+$0x180 ss:$0x1], $0xffff  }
0x1c: {  	v4 =	vimm.f32 $3.000000010e+38;
	s31 =	simm.s32 $0x1000;
	v8 =	vld.idx.msk [tilespmem:v1+s13+$0x200 ss:$0x1], $0xffff  }
0x1d: {  	v7 =	vimm.f32 $-3.000000010e+38;
	s11 =	sand.u32 $0x78000, s31;
	s12 =	simm.s32 $0x400;
	v9 =	vld.idx.msk [tilespmem:v1+s13+$0x280 ss:$0x1], $0xffff  }
0x1e: {  	s14 =	sand.u32 $0x1C00, s12;
	s11 =	sshrl.u32 s11, $0x2;
	v10 =	vld.idx.msk [tilespmem:v1+s13+$0x300 ss:$0x1], $0xffff;
	v4 =	vmin.f32 v4, v2;
	v2 =	vmax.f32 v7, v2  }
0x1f: {  	s11 =	sor.u32 s14, s11;
	v7 =	vld.idx.msk [tilespmem:v1+s13+$0x380 ss:$0x1], $0xffff;
	v11 =	vmin.f32 v4, v3;
	v2 =	vmax.f32 v2, v3  }
0x20: {  	v4 =	vld.idx.msk [tilespmem:v1+s11+$0x0 ss:$0x1], $0xffff;
	v3 =	vmin.f32 v11, v5;
	v2 =	vmax.f32 v2, v5  }
0x21: {  	v5 =	vld.idx.msk [tilespmem:v1+s11+$0x80 ss:$0x1], $0xffff;
	v3 =	vmin.f32 v3, v6;
	v6 =	vmax.f32 v2, v6  }
0x22: {  	v2 =	vld.idx.msk [tilespmem:v1+s11+$0x100 ss:$0x1], $0xffff;
	v11 =	vmin.f32 v3, v8;
	v6 =	vmax.f32 v6, v8  }
0x23: {  	v3 =	vld.idx.msk [tilespmem:v1+s11+$0x180 ss:$0x1], $0xffff;
	v8 =	vmin.f32 v11, v9;
	v9 =	vmax.f32 v6, v9  }
0x24: {  	s14 =	simm.s32 $0x2000;
	s13 =	simm.s32 $0x8;
	v6 =	vld.idx.msk [tilespmem:v1+s11+$0x200 ss:$0x1], $0xffff;
	v8 =	vmin.f32 v8, v10;
	v9 =	vmax.f32 v9, v10  }
.LBB2_3:
0x25: {  	s15 =	sand.u32 $0x78000, s14;
	s13 =	sadd.s32 $0x8, s13;
	v10 =	vld.idx.msk [tilespmem:v1+s11+$0x280 ss:$0x1], $0xffff;
	s12 =	sadd.s32 $0x400, s12;
	v8 =	vmin.f32 v8, v7;
	v7 =	vmax.f32 v9, v7  }
0x26: {  	s16 =	sand.u32 $0x1C00, s12;
	s15 =	sshrl.u32 s15, $0x2;
	p0 =	slt.u32 s13, $0x2F8;
	v8 =	vmin.f32 v8, v4;
	v4 =	vmax.f32 v7, v4;
	v9 =	vld.idx.msk [tilespmem:v1+s11+$0x300 ss:$0x1], $0xffff  }
0x27: {  	v8 =	vmin.f32 v8, v5;
	v5 =	vmax.f32 v4, v5;
	v7 =	vld.idx.msk [tilespmem:v1+s11+$0x380 ss:$0x1], $0xffff;
	s11 =	sor.u32 s16, s15  }
.Ltmp0:
0x28: {  	v4 =	vld.idx.msk [tilespmem:v1+s11+$0x0 ss:$0x1], $0xffff;
	v8 =	vmin.f32 v8, v2;
	v2 =	vmax.f32 v5, v2;
	(pc) =	sbr.rel @p0 .LBB2_3-.Ltmp0, $4  }
0x29: {  	v5 =	vld.idx.msk [tilespmem:v1+s11+$0x80 ss:$0x1], $0xffff;
	v8 =	vmin.f32 v8, v3;
	v3 =	vmax.f32 v2, v3  }
0x2a: {  	v2 =	vld.idx.msk [tilespmem:v1+s11+$0x100 ss:$0x1], $0xffff;
	v8 =	vmin.f32 v8, v6;
	v6 =	vmax.f32 v3, v6  }
0x2b: {  	v3 =	vld.idx.msk [tilespmem:v1+s11+$0x180 ss:$0x1], $0xffff;
	v8 =	vmin.f32 v8, v10;
	v10 =	vmax.f32 v6, v10  }
0x2c: {  	s14 =	sadd.s32 $0x1000, s14;
	v6 =	vld.idx.msk [tilespmem:v1+s11+$0x200 ss:$0x1], $0xffff;
	v8 =	vmin.f32 v8, v9;
	v9 =	vmax.f32 v10, v9  }
0x2d: {  	_ =	sdelay $0x2  }
0x2e: {  	v8 =	vmin.f32 v8, v7;
	v7 =	vmax.f32 v9, v7  }
0x2f: {  	v9 =	vld.idx.msk [tilespmem:v1+s11+$0x280 ss:$0x1], $0xffff;
	v8 =	vmin.f32 v8, v4;
	v4 =	vmax.f32 v7, v4  }
0x30: {  	v7 =	vld.idx.msk [tilespmem:v1+s11+$0x300 ss:$0x1], $0xffff;
	v8 =	vmin.f32 v8, v5;
	v4 =	vmax.f32 v4, v5  }
0x31: {  	v5 =	vld.idx.msk [tilespmem:v1+s11+$0x380 ss:$0x1], $0xffff;
	v8 =	vmin.f32 v8, v2;
	v2 =	vmax.f32 v4, v2  }
0x32: {  	v4 =	vmin.f32 v8, v3;
	v2 =	vmax.f32 v2, v3  }
0x33: {  	v3 =	vmin.f32 v4, v6;
	v2 =	vmax.f32 v2, v6  }
0x34: {  	v3 =	vmin.f32 v3, v9;
	v2 =	vmax.f32 v2, v9  }
0x35: {  	v3 =	vmin.f32 v3, v7;
	v2 =	vmax.f32 v2, v7  }
0x36: {  	v3 =	vmin.f32 v3, v5;
	v2 =	vmax.f32 v2, v5  }
0x37: {  	v2 =	vsub.f32 v2, v3;
	_ =	sdelay $0x1  }
0x38: {  	v2 =	vmul.f32 v2, v0;
	_ =	sdelay $0x1  }
0x39: {  	(erf) = vrcp.f32 v2  }
0x3a: {  	s28 =	simm.s32 $0x0  }
0x3b: {  	s12 =	sand.u32 $0x78000, s28  }
0x3c: {  	s11 =	sand.u32 $0x1C00, s28;
	s12 =	sshrl.u32 s12, $0x2  }
0x3d: {  	s13 =	sor.u32 s11, s12  }
0x3e: {  	v5 =	vld.idx.msk [tilespmem:v1+s13+$0x180 ss:$0x1], $0xffff;
	_ =	sdelay $0x2  }
0x3f: {  	v3 =	vsub.f32 $0.0e+00, v3  }
0x40: {  	v6 =	vld.idx.msk [tilespmem:v1+s13+$0x100 ss:$0x1], $0xffff;
	v4 =	vpop (erf)  }
0x41: {  	v3 =	vmul.f32 v4, v3;
	v5 =	vmul.f32 v5, v4;
	_ =	sdelay $0x1  }
0x42: {  	v3 =	vadd.f32 $1.258291200e+07, v3;
	v5 =	vadd.f32 $1.258291200e+07, v5;
	_ =	sdelay $0x1  }
0x43: {  	v6 =	vmul.f32 v6, v4;
	v3 =	vadd.f32 $-1.258291200e+07, v3;
	v5 =	vadd.f32 $-1.258291200e+07, v5;
	_ =	sdelay $0x1  }
0x44: {  	v6 =	vadd.f32 $1.258291200e+07, v6;
	v5 =	vadd.f32 v5, v3;
	_ =	sdelay $0x1  }
0x45: {  	v7 =	vld.idx.msk [tilespmem:v1+s13+$0x380 ss:$0x1], $0xffff;
	v6 =	vadd.f32 $-1.258291200e+07, v6;
	v5 =	vmax.f32 v5, $0.0e+00  }
0x46: {  	v5 =	vmin.f32 v5, $2.550000000e+02  }
0x47: {  	v6 =	vadd.f32 v6, v3;
	v5 =	vsub.f32 v5, v3  }
0x48: {  	s29 =	simm.s32 $0x1000  }
0x49: {  	s30 =	simm.s32 $0x400;
	s11 =	sand.u32 $0x78000, s29;
	v6 =	vmax.f32 v6, $0.0e+00;
	v5 =	vmul.f32 v5, v2  }
0x4a: {  	s12 =	sand.u32 $0x1C00, s30;
	s11 =	sshrl.u32 s11, $0x2;
	v7 =	vmul.f32 v7, v4;
	v6 =	vmin.f32 v6, $2.550000000e+02  }
0x4b: {  	s12 =	sor.u32 s12, s11;
	v6 =	vsub.f32 v6, v3;
	[tilespmem:v1+s13+$0x180 ss:$0x1] =	vst.idx.msk $0xffff, v5;
	v5 =	vld.idx.msk [tilespmem:v1+s13+$0x80 ss:$0x1], $0xffff  }
0x4c: {  	v7 =	vadd.f32 $1.258291200e+07, v7;
	v8 =	vld.idx.msk [tilespmem:v1+s12+$0x180 ss:$0x1], $0xffff  }
0x4d: {  	v6 =	vmul.f32 v6, v2  }
0x4e: {  	v7 =	vadd.f32 $-1.258291200e+07, v7  }
0x4f: {  	[tilespmem:v1+s13+$0x100 ss:$0x1] =	vst.idx.msk $0xffff, v6  }
0x50: {  	v7 =	vadd.f32 v7, v3;
	v6 =	vld.idx.msk [tilespmem:v1+s12+$0x100 ss:$0x1], $0xffff;
	v5 =	vmul.f32 v5, v4  }
0x51: {  	v9 =	vld.idx.msk [tilespmem:v1+s13+$0x280 ss:$0x1], $0xffff;
	v8 =	vmul.f32 v8, v4  }
0x52: {  	v7 =	vmax.f32 v7, $0.0e+00;
	v5 =	vadd.f32 $1.258291200e+07, v5  }
0x53: {  	v10 =	vld.idx.msk [tilespmem:v1+s13+$0x300 ss:$0x1], $0xffff;
	v7 =	vmin.f32 v7, $2.550000000e+02;
	v8 =	vadd.f32 $1.258291200e+07, v8  }
0x54: {  	v7 =	vsub.f32 v7, v3;
	v5 =	vadd.f32 $-1.258291200e+07, v5  }
0x55: {  	v6 =	vmul.f32 v6, v4;
	v8 =	vadd.f32 $-1.258291200e+07, v8  }
0x56: {  	v9 =	vmul.f32 v9, v4;
	v7 =	vmul.f32 v7, v2;
	v5 =	vadd.f32 v5, v3  }
0x57: {  	v11 =	vld.idx.msk [tilespmem:v1+s13+$0x200 ss:$0x1], $0xffff;
	v6 =	vadd.f32 $1.258291200e+07, v6;
	v8 =	vadd.f32 v8, v3  }
0x58: {  	v10 =	vmul.f32 v10, v4;
	v9 =	vadd.f32 $1.258291200e+07, v9;
	[tilespmem:v1+s13+$0x380 ss:$0x1] =	vst.idx.msk $0xffff, v7;
	v5 =	vmax.f32 v5, $0.0e+00  }
0x59: {  	v6 =	vadd.f32 $-1.258291200e+07, v6;
	v7 =	vmax.f32 v8, $0.0e+00;
	v5 =	vmin.f32 v5, $2.550000000e+02;
	v8 =	vld.idx.msk [tilespmem:v1+s12+$0x380 ss:$0x1], $0xffff  }
0x5a: {  	v9 =	vadd.f32 $-1.258291200e+07, v9;
	v7 =	vmin.f32 v7, $2.550000000e+02;
	v5 =	vsub.f32 v5, v3  }
0x5b: {  	v6 =	vadd.f32 v6, v3;
	v7 =	vsub.f32 v7, v3  }
0x5c: {  	s31 =	simm.s32 $0x2000;
	v12 =	vld.idx.msk [tilespmem:v1+s13+$0x0 ss:$0x1], $0xffff;
	v11 =	vmul.f32 v11, v4;
	v10 =	vadd.f32 $1.258291200e+07, v10;
	v5 =	vmul.f32 v5, v2  }
0x5d: {  	s14 =	simm.s32 $0x800;
	s11 =	sand.u32 $0x78000, s31;
	v9 =	vadd.f32 v9, v3;
	v6 =	vmax.f32 v6, $0.0e+00;
	v7 =	vmul.f32 v7, v2  }
0x5e: {  	s15 =	sand.u32 $0x1C00, s14;
	s11 =	sshrl.u32 s11, $0x2;
	v6 =	vmin.f32 v6, $2.550000000e+02;
	[tilespmem:v1+s13+$0x80 ss:$0x1] =	vst.idx.msk $0xffff, v5;
	v8 =	vmul.f32 v8, v4  }
0x5f: {  	s11 =	sor.u32 s15, s11;
	v5 =	vmax.f32 v9, $0.0e+00;
	[tilespmem:v1+s12+$0x180 ss:$0x1] =	vst.idx.msk $0xffff, v7;
	v7 =	vadd.f32 $-1.258291200e+07, v10;
	v9 =	vld.idx.msk [tilespmem:v1+s12+$0x80 ss:$0x1], $0xffff;
	v10 =	vadd.f32 $1.258291200e+07, v11  }
0x60: {  	v6 =	vsub.f32 v6, v3;
	v5 =	vmin.f32 v5, $2.550000000e+02;
	v11 =	vld.idx.msk [tilespmem:v1+s11+$0x180 ss:$0x1], $0xffff;
	v8 =	vadd.f32 $1.258291200e+07, v8  }
0x61: {  	v12 =	vmul.f32 v12, v4;
	v5 =	vsub.f32 v5, v3;
	v10 =	vadd.f32 $-1.258291200e+07, v10  }
0x62: {  	v6 =	vmul.f32 v6, v2;
	v7 =	vadd.f32 v7, v3;
	v8 =	vadd.f32 $-1.258291200e+07, v8  }
0x63: {  	v12 =	vadd.f32 $1.258291200e+07, v12;
	v5 =	vmul.f32 v5, v2;
	v10 =	vadd.f32 v10, v3  }
0x64: {  	[tilespmem:v1+s12+$0x100 ss:$0x1] =	vst.idx.msk $0xffff, v6;
	v7 =	vmax.f32 v7, $0.0e+00;
	v6 =	vmul.f32 v9, v4;
	v8 =	vadd.f32 v8, v3  }
0x65: {  	v12 =	vadd.f32 $-1.258291200e+07, v12;
	v7 =	vmin.f32 v7, $2.550000000e+02;
	v9 =	vld.idx.msk [tilespmem:v1+s11+$0x100 ss:$0x1], $0xffff;
	[tilespmem:v1+s13+$0x280 ss:$0x1] =	vst.idx.msk $0xffff, v5;
	v5 =	vmul.f32 v11, v4  }
0x66: {  	v10 =	vmax.f32 v10, $0.0e+00;
	v11 =	vld.idx.msk [tilespmem:v1+s12+$0x280 ss:$0x1], $0xffff;
	v7 =	vsub.f32 v7, v3;
	v6 =	vadd.f32 $1.258291200e+07, v6  }
0x67: {  	v8 =	vmax.f32 v8, $0.0e+00;
	v10 =	vmin.f32 v10, $2.550000000e+02;
	v5 =	vadd.f32 $1.258291200e+07, v5  }
0x68: {  	v8 =	vmin.f32 v8, $2.550000000e+02;
	v7 =	vmul.f32 v7, v2;
	v10 =	vsub.f32 v10, v3  }
0x69: {  	v6 =	vadd.f32 $-1.258291200e+07, v6;
	v8 =	vsub.f32 v8, v3  }
0x6a: {  	v5 =	vadd.f32 $-1.258291200e+07, v5;
	v9 =	vmul.f32 v9, v4;
	v10 =	vmul.f32 v10, v2;
	[tilespmem:v1+s13+$0x300 ss:$0x1] =	vst.idx.msk $0xffff, v7  }
0x6b: {  	v6 =	vadd.f32 v6, v3;
	v11 =	vmul.f32 v11, v4;
	v13 =	vmul.f32 v8, v2;
	v8 =	vld.idx.msk [tilespmem:v1+s12+$0x300 ss:$0x1], $0xffff  }
0x6c: {  	v5 =	vadd.f32 v5, v3;
	v7 =	vadd.f32 $1.258291200e+07, v9  }
0x6d: {  	v12 =	vadd.f32 v12, v3;
	[tilespmem:v1+s13+$0x200 ss:$0x1] =	vst.idx.msk $0xffff, v10;
	v6 =	vmax.f32 v6, $0.0e+00;
	v11 =	vadd.f32 $1.258291200e+07, v11  }
0x6e: {  	v9 =	vld.idx.msk [tilespmem:v1+s12+$0x200 ss:$0x1], $0xffff;
	[tilespmem:v1+s12+$0x380 ss:$0x1] =	vst.idx.msk $0xffff, v13;
	v14 =	vmax.f32 v5, $0.0e+00;
	v5 =	vadd.f32 $-1.258291200e+07, v7;
	v10 =	vmin.f32 v6, $2.550000000e+02  }
0x6f: {  	s16 =	simm.s32 $0x3000;
	s15 =	simm.s32 $0x10;
	v7 =	vld.idx.msk [tilespmem:v1+s11+$0x380 ss:$0x1], $0xffff;
	v6 =	vmin.f32 v14, $2.550000000e+02;
	v10 =	vsub.f32 v10, v3;
	v11 =	vadd.f32 $-1.258291200e+07, v11  }
.LBB2_5:
0x70: {  	s17 =	sand.u32 $0x78000, s16;
	s15 =	sadd.s32 $0x8, s15;
	v6 =	vsub.f32 v6, v3;
	s14 =	sadd.s32 $0x400, s14;
	v8 =	vmul.f32 v8, v4;
	v12 =	vmax.f32 v12, $0.0e+00  }
0x71: {  	v5 =	vadd.f32 v5, v3;
	s18 =	sand.u32 $0x1C00, s14;
	s17 =	sshrl.u32 s17, $0x2;
	p0 =	slt.u32 s15, $0x2F8;
	v10 =	vmul.f32 v10, v2;
	v11 =	vadd.f32 v11, v3  }
0x72: {  	v12 =	vmin.f32 v12, $2.550000000e+02;
	s17 =	sor.u32 s18, s17;
	v6 =	vmul.f32 v6, v2;
	v8 =	vadd.f32 $1.258291200e+07, v8  }
0x73: {  	v5 =	vmax.f32 v5, $0.0e+00;
	[tilespmem:v1+s12+$0x80 ss:$0x1] =	vst.idx.msk $0xffff, v10;
	v10 =	vmax.f32 v11, $0.0e+00;
	v11 =	vsub.f32 v12, v3  }
0x74: {  	v5 =	vmin.f32 v5, $2.550000000e+02;
	[tilespmem:v1+s11+$0x180 ss:$0x1] =	vst.idx.msk $0xffff, v6;
	v6 =	vmul.f32 v9, v4;
	v8 =	vadd.f32 $-1.258291200e+07, v8  }
0x75: {  	v5 =	vsub.f32 v5, v3;
	v7 =	vmul.f32 v7, v4;
	v10 =	vmin.f32 v10, $2.550000000e+02;
	v9 =	vld.idx.msk [tilespmem:v1+s11+$0x80 ss:$0x1], $0xffff  }
0x76: {  	v11 =	vmul.f32 v11, v2;
	v12 =	vld.idx.msk [tilespmem:v1+s17+$0x180 ss:$0x1], $0xffff;
	v6 =	vadd.f32 $1.258291200e+07, v6;
	v8 =	vadd.f32 v8, v3  }
0x77: {  	v10 =	vsub.f32 v10, v3;
	v5 =	vmul.f32 v5, v2;
	v7 =	vadd.f32 $1.258291200e+07, v7  }
0x78: {  	v6 =	vadd.f32 $-1.258291200e+07, v6;
	v8 =	vmax.f32 v8, $0.0e+00;
	[tilespmem:v1+s13+$0x0 ss:$0x1] =	vst.idx.msk $0xffff, v11;
	s13 =	smov.u32 s12;
	s12 =	smov.u32 s11;
	s11 =	smov.u32 s17  }
0x79: {  	v10 =	vmul.f32 v10, v2;
	[tilespmem:v1+s12+$0x100 ss:$0x1] =	vst.idx.msk $0xffff, v5;
	v5 =	vadd.f32 $-1.258291200e+07, v7;
	v7 =	vld.idx.msk [tilespmem:v1+s13+$0x0 ss:$0x1], $0xffff  }
0x7a: {  	v8 =	vmin.f32 v8, $2.550000000e+02;
	v6 =	vadd.f32 v6, v3  }
0x7b: {  	v9 =	vmul.f32 v9, v4;
	v11 =	vld.idx.msk [tilespmem:v1+s11+$0x100 ss:$0x1], $0xffff;
	v5 =	vadd.f32 v5, v3;
	[tilespmem:v1+s13+$0x280 ss:$0x1] =	vst.idx.msk $0xffff, v10  }
0x7c: {  	v8 =	vsub.f32 v8, v3;
	v10 =	vmul.f32 v12, v4;
	v12 =	vld.idx.msk [tilespmem:v1+s12+$0x280 ss:$0x1], $0xffff;
	v6 =	vmax.f32 v6, $0.0e+00  }
0x7d: {  	v9 =	vadd.f32 $1.258291200e+07, v9;
	v5 =	vmax.f32 v5, $0.0e+00;
	v6 =	vmin.f32 v6, $2.550000000e+02  }
0x7e: {  	v8 =	vmul.f32 v8, v2;
	v10 =	vadd.f32 $1.258291200e+07, v10;
	v5 =	vmin.f32 v5, $2.550000000e+02  }
0x7f: {  	v9 =	vadd.f32 $-1.258291200e+07, v9;
	v7 =	vmul.f32 v7, v4;
	v5 =	vsub.f32 v5, v3  }
0x80: {  	v6 =	vsub.f32 v6, v3;
	v10 =	vadd.f32 $-1.258291200e+07, v10;
	[tilespmem:v1+s13+$0x300 ss:$0x1] =	vst.idx.msk $0xffff, v8  }
0x81: {  	v11 =	vmul.f32 v11, v4;
	v9 =	vadd.f32 v9, v3;
	v7 =	vadd.f32 $1.258291200e+07, v7;
	v8 =	vld.idx.msk [tilespmem:v1+s12+$0x300 ss:$0x1], $0xffff  }
.Ltmp1:
0x82: {  	v6 =	vmul.f32 v6, v2;
	v10 =	vadd.f32 v10, v3;
	v12 =	vmul.f32 v12, v4;
	(pc) =	sbr.rel @p0 .LBB2_5-.Ltmp1, $4  }
0x83: {  	v13 =	vmul.f32 v5, v2;
	v11 =	vadd.f32 $1.258291200e+07, v11;
	v7 =	vadd.f32 $-1.258291200e+07, v7  }
0x84: {  	v9 =	vmax.f32 v9, $0.0e+00;
	v10 =	vmax.f32 v10, $0.0e+00;
	v14 =	vadd.f32 $1.258291200e+07, v12;
	[tilespmem:v1+s13+$0x200 ss:$0x1] =	vst.idx.msk $0xffff, v6  }
0x85: {  	v5 =	vadd.f32 $-1.258291200e+07, v11;
	v11 =	vmin.f32 v9, $2.550000000e+02;
	v12 =	vadd.f32 v7, v3;
	v9 =	vld.idx.msk [tilespmem:v1+s12+$0x200 ss:$0x1], $0xffff;
	[tilespmem:v1+s12+$0x380 ss:$0x1] =	vst.idx.msk $0xffff, v13  }
0x86: {  	s16 =	sadd.s32 $0x1000, s16;
	v6 =	vmin.f32 v10, $2.550000000e+02;
	v10 =	vsub.f32 v11, v3;
	v11 =	vadd.f32 $-1.258291200e+07, v14;
	v7 =	vld.idx.msk [tilespmem:v1+s11+$0x380 ss:$0x1], $0xffff  }
0x87: {  	v12 =	vmax.f32 v12, $0.0e+00  }
0x88: {  	v12 =	vmin.f32 v12, $2.550000000e+02  }
0x89: {  	v12 =	vsub.f32 v12, v3;
	_ =	sdelay $0x1  }
0x8a: {  	v12 =	vmul.f32 v12, v2;
	_ =	sdelay $0x1  }
0x8b: {  	[tilespmem:v1+s13+$0x0 ss:$0x1] =	vst.idx.msk $0xffff, v12  }
0x8c: {  	v12 =	vld.idx.msk [tilespmem:v1+s12+$0x0 ss:$0x1], $0xffff;
	_ =	sdelay $0x1  }
0x8d: {  	v9 =	vmul.f32 v9, v4  }
0x8e: {  	v8 =	vmul.f32 v8, v4  }
0x8f: {  	v9 =	vadd.f32 $1.258291200e+07, v9  }
0x90: {  	v8 =	vadd.f32 $1.258291200e+07, v8;
	v12 =	vmul.f32 v12, v4  }
0x91: {  	v11 =	vadd.f32 v11, v3;
	v9 =	vadd.f32 $-1.258291200e+07, v9  }
0x92: {  	v8 =	vadd.f32 $-1.258291200e+07, v8;
	v12 =	vadd.f32 $1.258291200e+07, v12  }
0x93: {  	v10 =	vmul.f32 v10, v2;
	v11 =	vmax.f32 v11, $0.0e+00;
	v9 =	vadd.f32 v9, v3  }
0x94: {  	v11 =	vmin.f32 v11, $2.550000000e+02;
	v8 =	vadd.f32 v8, v3;
	v48 =	vadd.f32 $-1.258291200e+07, v12  }
0x95: {  	v11 =	vsub.f32 v11, v3;
	v9 =	vmax.f32 v9, $0.0e+00  }
0x96: {  	[tilespmem:v1+s12+$0x80 ss:$0x1] =	vst.idx.msk $0xffff, v10;
	v8 =	vmax.f32 v8, $0.0e+00;
	v9 =	vmin.f32 v9, $2.550000000e+02;
	v10 =	vadd.f32 v48, v3  }
0x97: {  	v8 =	vmin.f32 v8, $2.550000000e+02;
	v9 =	vsub.f32 v9, v3  }
0x98: {  	v49 =	vld.idx.msk [tilespmem:v1+s11+$0x80 ss:$0x1], $0xffff;
	v11 =	vmul.f32 v11, v2;
	v8 =	vsub.f32 v8, v3;
	v10 =	vmax.f32 v10, $0.0e+00  }
0x99: {  	v7 =	vmul.f32 v7, v4;
	v9 =	vmul.f32 v9, v2;
	v10 =	vmin.f32 v10, $2.550000000e+02  }
0x9a: {  	[tilespmem:v1+s12+$0x280 ss:$0x1] =	vst.idx.msk $0xffff, v11;
	v8 =	vmul.f32 v8, v2;
	v10 =	vsub.f32 v10, v3  }
0x9b: {  	v11 =	vld.idx.msk [tilespmem:v1+s11+$0x280 ss:$0x1], $0xffff;
	[tilespmem:v1+s12+$0x200 ss:$0x1] =	vst.idx.msk $0xffff, v9  }
0x9c: {  	v7 =	vadd.f32 $1.258291200e+07, v7;
	[tilespmem:v1+s12+$0x300 ss:$0x1] =	vst.idx.msk $0xffff, v8;
	v53 =	vld.idx.msk [tilespmem:v1+s11+$0x200 ss:$0x1], $0xffff;
	v50 =	vmul.f32 v10, v2  }
0x9d: {  	v5 =	vadd.f32 v5, v3;
	v6 =	vsub.f32 v6, v3;
	v51 =	vld.idx.msk [tilespmem:v1+s11+$0x300 ss:$0x1], $0xffff;
	v12 =	vmul.f32 v49, v4  }
0x9e: {  	v7 =	vadd.f32 $-1.258291200e+07, v7;
	[tilespmem:v1+s12+$0x0 ss:$0x1] =	vst.idx.msk $0xffff, v50  }
0x9f: {  	v5 =	vmax.f32 v5, $0.0e+00;
	v6 =	vmul.f32 v6, v2;
	v12 =	vadd.f32 $1.258291200e+07, v12;
	v8 =	vld.idx.msk [tilespmem:v1+s11+$0x0 ss:$0x1], $0xffff  }
0xa0: {  	v5 =	vmin.f32 v5, $2.550000000e+02;
	v7 =	vadd.f32 v7, v3;
	v11 =	vmul.f32 v11, v4  }
0xa1: {  	v5 =	vsub.f32 v5, v3;
	v52 =	vadd.f32 $-1.258291200e+07, v12;
	v12 =	vmul.f32 v53, v4  }
0xa2: {  	v7 =	vmax.f32 v7, $0.0e+00;
	v11 =	vadd.f32 $1.258291200e+07, v11;
	v10 =	vmul.f32 v51, v4  }
0xa3: {  	v7 =	vmin.f32 v7, $2.550000000e+02;
	v9 =	vadd.f32 v52, v3;
	v56 =	vadd.f32 $1.258291200e+07, v12  }
0xa4: {  	v7 =	vsub.f32 v7, v3;
	v10 =	vadd.f32 $1.258291200e+07, v10;
	v54 =	vmul.f32 v8, v4  }
0xa5: {  	v55 =	vadd.f32 $-1.258291200e+07, v11;
	v9 =	vmax.f32 v9, $0.0e+00;
	v11 =	vadd.f32 $-1.258291200e+07, v56  }
0xa6: {  	v9 =	vmin.f32 v9, $2.550000000e+02;
	v10 =	vadd.f32 $-1.258291200e+07, v10;
	v4 =	vadd.f32 $1.258291200e+07, v54  }
0xa7: {  	v5 =	vmul.f32 v5, v2;
	v9 =	vsub.f32 v9, v3;
	v11 =	vadd.f32 v11, v3  }
0xa8: {  	v7 =	vmul.f32 v7, v2;
	v10 =	vadd.f32 v10, v3;
	v4 =	vadd.f32 $-1.258291200e+07, v4  }
0xa9: {  	v9 =	vmul.f32 v9, v2;
	v59 =	vmax.f32 v11, $0.0e+00;
	v8 =	vadd.f32 v55, v3  }
0xaa: {  	v10 =	vmax.f32 v10, $0.0e+00;
	v61 =	vmin.f32 v59, $2.550000000e+02;
	v4 =	vadd.f32 v4, v3  }
0xab: {  	[tilespmem:v1+s11+$0x180 ss:$0x1] =	vst.idx.msk $0xffff, v6;
	v58 =	vmin.f32 v10, $2.550000000e+02;
	v62 =	vsub.f32 v61, v3;
	v8 =	vmax.f32 v8, $0.0e+00  }
0xac: {  	s10 =	sadd.s32 $0x1, s10;
	[tilespmem:v1+s11+$0x100 ss:$0x1] =	vst.idx.msk $0xffff, v5;
	v60 =	vsub.f32 v58, v3;
	v8 =	vmin.f32 v8, $2.550000000e+02;
	v4 =	vmax.f32 v4, $0.0e+00  }
0xad: {  	p0 =	sne.s32 s10, $0x8;
	[tilespmem:v1+s11+$0x380 ss:$0x1] =	vst.idx.msk $0xffff, v7;
	v63 =	vmul.f32 v62, v2;
	v57 =	vsub.f32 v8, v3;
	v4 =	vmin.f32 v4, $2.550000000e+02  }
.Ltmp2:
0xae: {  	[tilespmem:v1+s11+$0x80 ss:$0x1] =	vst.idx.msk $0xffff, v9;
	v5 =	vmul.f32 v60, v2;
	v3 =	vsub.f32 v4, v3;
	(pc) =	sbr.rel @p0 .LBB2_2-.Ltmp2, $4  }
0xaf: {  	[tilespmem:v1+s11+$0x200 ss:$0x1] =	vst.idx.msk $0xffff, v63;
	v6 =	vmul.f32 v57, v2  }
0xb0: {  	[tilespmem:v1+s11+$0x300 ss:$0x1] =	vst.idx.msk $0xffff, v5;
	v2 =	vmul.f32 v3, v2  }
0xb1: {  	[tilespmem:v1+s11+$0x280 ss:$0x1] =	vst.idx.msk $0xffff, v6  }
0xb2: {  	[tilespmem:v1+s11+$0x0 ss:$0x1] =	vst.idx.msk $0xffff, v2  }
0xb3: {  	s9 =	sadd.s32 $0x1, s9  }
0xb4: {  	p0 =	sne.s32 s9, s5  }
.Ltmp3:
0xb5: {  	_ = 	snop;
	(pc) =	sbr.rel @p0 .LBB2_1-.Ltmp3, $4  }
0xb6: {  	[hbm4b:s4+s6] =	stream.strided.scatter [tilespmem:s2], [sflag:$0x1], $0x18000, s7, s6, $0x38;
	[tilespmem:$0x18000] =	vst v63  }
0xb7: {  	_ =	swait.ge [sflag:s8], $0x18000  }
0xb8: {  	[sflag:s8] =	ssyncset.done $0x0  }
0xb9: {  	[sflag:s8] =	ssyncadd.s32 $0xFFFE8000  }
0xba: {  	_ =	sfence.sel $0x180000  }
0xbb: {  	[bflag:$0x0] =	sbarrier.arrive $0xFFFF  }
0xbc: {  	p0 =	sne.s32 s1, $0x0;
	_ =	strace $0x90000047  }
0xbd: {  	s0 =	sadd.s32 @!p0 $0x100000, s0;
	[bflag:$0x2] =	sbarrier.arrive $0xFFFF  }
0xbe: {  	[sflag:s0] =	ssyncadd.tile.s32 @!p0 $0x1;
	_ =	shalt  }
.Lfunc_end2:
_tile_overlayer_lowered:
.L_overlay_start_2:
0xbf: {  	(tag) =	ssettag $0x2  }
0xc0: {  	s0 =	rddreg [dreg:$0x0];
	s2 =	stileid.u32  }
0xc1: {  	s1 =	rddreg [dreg:$0x1];
	p0 =	sne.s32 s2, $0x0  }
0xc2: {  	s3 =	rddreg [dreg:$0x2];
	[bflag:$0x3] =	sbarrier.arrive $0xFFFF;
	s2 =	simm.s32 @!p0 $0x1C01  }
0xc3: {  	[timem:s3], [sflag:s2] =	dma.local @!p0 [hbm:s0], s1  }
0xc4: {  	s0 =	simm.s32 @!p0 $0x1  }
0xc5: {  	_ =	swait.ge @!p0 [sflag:s0], s1  }
0xc6: {  	s1 =	ssub.s32 @!p0 $0x0, s1;
	[sflag:s0] =	ssyncset.done @!p0 $0x0  }
0xc7: {  	[sflag:s0] =	ssyncadd.s32 @!p0 s1  }
0xc8: {  	[bflag:$0x3] =	sbarrier.arrive $0xFFFF  }
0xc9: {  	_ =	shalt  }

</sc_bundles>
